<compile_context>
chip_gen: v7x
topology: tpu7x:2x2x1
jax: 0.10.2.dev20260603
libtpu: 0.0.44.dev20260713+nightly
codegen_flags: <defaults>
</compile_context>

<pallas_src>
import functools

import jax
import jax.numpy as jnp
from jax import lax
from jax.experimental import pallas as pl
from jax.experimental.pallas import tpu as pltpu
from jax.experimental.pallas import tpu_sc as plsc

N = 10000
E = 320000
H = 256
HALF = 128
CHUNK = 125
NC = 2
NT = 16
RPT = 624


def _make_agg(split_edges: bool):
  n_chunks = E // CHUNK
  cpt = n_chunks // (NC * NT) if split_edges else n_chunks // NT
  G = 16
  n_groups = cpt // G

  mesh = plsc.VectorSubcoreMesh(core_axis_name="c", subcore_axis_name="s")

  @functools.partial(
      pl.kernel,
      mesh=mesh,
      out_type=jax.ShapeDtypeStruct((NC, N, HALF), jnp.float32),
      scratch_types=[
          pltpu.VMEM_SHARED((N, HALF), jnp.float32),
          pltpu.VMEM((G, CHUNK), jnp.int32),
          pltpu.VMEM((G, CHUNK), jnp.int32),
          pltpu.VMEM((CHUNK, HALF), jnp.float32),
          pltpu.SemaphoreType.DMA,
      ],
  )
  def agg(table, src2, dst2, zeros, out, acc, src_v, dst_v, rows, sem):
    c = lax.axis_index("c")
    s = lax.axis_index("s")
    row0 = s * RPT
    pltpu.sync_copy(zeros.at[pl.ds(0, RPT)], acc.at[pl.ds(row0, RPT)])

    @pl.when(s == NT - 1)
    def _zero_tail():
      pltpu.sync_copy(zeros.at[pl.ds(0, 16)], acc.at[pl.ds(NT * RPT, 16)])

    if split_edges:
      base = (c * NT + s) * cpt
      tab = table
    else:
      base = s * cpt
      tab = table.at[c]
    plsc.subcore_barrier()

    def group(g, carry):
      pltpu.sync_copy(src2.at[pl.ds(base + g * G, G)], src_v)
      pltpu.sync_copy(dst2.at[pl.ds(base + g * G, G)], dst_v)

      def step(j, carry2):
        pltpu.async_copy(tab.at[src_v.at[j]], rows, sem).wait()
        pltpu.sync_copy(rows, acc.at[dst_v.at[j]], add=True)
        return carry2

      lax.fori_loop(0, G, step, 0)
      return carry

    lax.fori_loop(0, n_groups, group, 0)
    plsc.subcore_barrier()
    pltpu.sync_copy(acc.at[pl.ds(row0, RPT)], out.at[c, pl.ds(row0, RPT)])

    @pl.when(s == NT - 1)
    def _copy_tail():
      pltpu.sync_copy(acc.at[pl.ds(NT * RPT, 16)],
                      out.at[c, pl.ds(NT * RPT, 16)])

  return agg


_AGG_EDGE_SPLIT = _make_agg(True)
_AGG_FEAT_SPLIT = _make_agg(False)

BLK = 400


def _mlp0(p, x, W1, b1, W2, b2):

  def body(p_ref, x_ref, w1_ref, b1_ref, w2_ref, b2_ref, o_ref):
    m = p_ref[0] + p_ref[1] + x_ref[...]
    t = jnp.maximum(
        jnp.dot(m, w1_ref[...], preferred_element_type=jnp.float32)
        + b1_ref[...], 0.0)
    o = jnp.maximum(
        jnp.dot(t, w2_ref[...], preferred_element_type=jnp.float32)
        + b2_ref[...], 0.0)
    o_ref[0] = o[:, :HALF]
    o_ref[1] = o[:, HALF:]

  return pl.pallas_call(
      body,
      grid=(N // BLK,),
      in_specs=[
          pl.BlockSpec((2, BLK, HALF), lambda i: (0, i, 0)),
          pl.BlockSpec((BLK, HALF), lambda i: (i, 0)),
          pl.BlockSpec((HALF, H), lambda i: (0, 0)),
          pl.BlockSpec((1, H), lambda i: (0, 0)),
          pl.BlockSpec((H, H), lambda i: (0, 0)),
          pl.BlockSpec((1, H), lambda i: (0, 0)),
      ],
      out_specs=pl.BlockSpec((2, BLK, HALF), lambda i: (0, i, 0)),
      out_shape=jax.ShapeDtypeStruct((2, N, HALF), jnp.float32),
  )(p, x, W1, b1.reshape(1, H), W2, b2.reshape(1, H))


def _mlp_mid(a, h, W1, b1, W2, b2):

  def body(a_ref, h_ref, w1_ref, b1_ref, w2_ref, b2_ref, o_ref):
    m = jnp.concatenate(
        [a_ref[0] + h_ref[0], a_ref[1] + h_ref[1]], axis=1)
    t = jnp.maximum(
        jnp.dot(m, w1_ref[...], preferred_element_type=jnp.float32)
        + b1_ref[...], 0.0)
    o = jnp.maximum(
        jnp.dot(t, w2_ref[...], preferred_element_type=jnp.float32)
        + b2_ref[...], 0.0)
    o_ref[0] = o[:, :HALF]
    o_ref[1] = o[:, HALF:]

  return pl.pallas_call(
      body,
      grid=(N // BLK,),
      in_specs=[
          pl.BlockSpec((2, BLK, HALF), lambda i: (0, i, 0)),
          pl.BlockSpec((2, BLK, HALF), lambda i: (0, i, 0)),
          pl.BlockSpec((H, H), lambda i: (0, 0)),
          pl.BlockSpec((1, H), lambda i: (0, 0)),
          pl.BlockSpec((H, H), lambda i: (0, 0)),
          pl.BlockSpec((1, H), lambda i: (0, 0)),
      ],
      out_specs=pl.BlockSpec((2, BLK, HALF), lambda i: (0, i, 0)),
      out_shape=jax.ShapeDtypeStruct((2, N, HALF), jnp.float32),
  )(a, h, W1, b1.reshape(1, H), W2, b2.reshape(1, H))


def _head(h, Wl1, bl1, Wl2, bl2):

  def body(h_ref, w1_ref, b1_ref, w2_ref, b2_ref, o_ref):
    m = jnp.concatenate([h_ref[0], h_ref[1]], axis=1)
    t = jnp.maximum(
        jnp.dot(m, w1_ref[...], preferred_element_type=jnp.float32)
        + b1_ref[...], 0.0)
    o_ref[...] = (
        jnp.dot(t, w2_ref[...], preferred_element_type=jnp.float32)
        + b2_ref[...])

  return pl.pallas_call(
      body,
      grid=(N // BLK,),
      in_specs=[
          pl.BlockSpec((2, BLK, HALF), lambda i: (0, i, 0)),
          pl.BlockSpec((H, H), lambda i: (0, 0)),
          pl.BlockSpec((1, H), lambda i: (0, 0)),
          pl.BlockSpec((H, 1), lambda i: (0, 0)),
          pl.BlockSpec((1, 1), lambda i: (0, 0)),
      ],
      out_specs=pl.BlockSpec((BLK, 1), lambda i: (i, 0)),
      out_shape=jax.ShapeDtypeStruct((N, 1), jnp.float32),
  )(h, Wl1, bl1.reshape(1, H), Wl2, bl2.reshape(1, 1))


def kernel(x, edge_index, W1_0, b1_0, W2_0, b2_0, W1_1, b1_1, W2_1, b2_1,
           W1_2, b1_2, W2_2, b2_2, Wl1, bl1, Wl2, bl2):
  src2 = edge_index[0].reshape(E // CHUNK, CHUNK)
  dst2 = edge_index[1].reshape(E // CHUNK, CHUNK)
  zeros = jnp.zeros((RPT, HALF), jnp.float32)

  p = _AGG_EDGE_SPLIT(x, src2, dst2, zeros)
  h = _mlp0(p, x, W1_0, b1_0, W2_0, b2_0)
  for (W1, b1, W2, b2) in ((W1_1, b1_1, W2_1, b2_1),
                           (W1_2, b1_2, W2_2, b2_2)):
    a = _AGG_FEAT_SPLIT(h, src2, dst2, zeros)
    h = _mlp_mid(a, h, W1, b1, W2, b2)
  return _head(h, Wl1, bl1, Wl2, bl2)

# --- scband reference (transcript-rebuilt; emitter-appended) ---
"""Pipeline reference for scband-net-33878702031534 (READ-ONLY COPY).

The authoritative reference and input builder live on the scoring server;
editing this copy changes nothing except your own understanding.
"""

import jax, jax.numpy as jnp
import numpy as np

N = 10000
E = 320000
D_IN = 128
H = 256
OUT = 1
BLOCKS = 3


def setup_inputs(seed: int = 0) -> dict:
    key = jax.random.key(seed)
    inp = {}
    inp["x"] = jax.random.normal(jax.random.fold_in(key, 0), (N, D_IN), dtype=jnp.float32)
    inp["edge_index"] = jax.random.randint(jax.random.fold_in(key, 1), (2, E), 0, N, dtype=jnp.int32)
    dims = [D_IN] + [H] * BLOCKS
    for i in range(BLOCKS):
        k = jax.random.fold_in(key, 100 + i)
        k1, k2 = jax.random.split(k)
        inp[f"W1_{i}"] = jax.random.normal(k1, (dims[i], H), dtype=jnp.float32) * (1.0 / np.sqrt(dims[i]))
        inp[f"b1_{i}"] = jnp.zeros((H,), dtype=jnp.float32)
        inp[f"W2_{i}"] = jax.random.normal(k2, (H, H), dtype=jnp.float32) * (1.0 / np.sqrt(H))
        inp[f"b2_{i}"] = jnp.zeros((H,), dtype=jnp.float32)
    inp["Wl1"] = jax.random.normal(jax.random.fold_in(key, 200), (H, H), dtype=jnp.float32) * (1.0 / np.sqrt(H))
    inp["bl1"] = jnp.zeros((H,), dtype=jnp.float32)
    inp["Wl2"] = jax.random.normal(jax.random.fold_in(key, 201), (H, OUT), dtype=jnp.float32) * (1.0 / np.sqrt(H))
    inp["bl2"] = jnp.zeros((OUT,), dtype=jnp.float32)
    return inp


def reference(x, edge_index, W1_0, b1_0, W2_0, b2_0, W1_1, b1_1, W2_1, b2_1, W1_2, b1_2, W2_2, b2_2, Wl1, bl1, Wl2, bl2):
    # GIN: x' = MLP((1 + eps) * x + sum_{j in N(i)} x_j), eps = 0 (default torch_geometric GINConv)
    src = edge_index[0]
    dst = edge_index[1]
    params = [(W1_0, b1_0, W2_0, b2_0), (W1_1, b1_1, W2_1, b2_1), (W1_2, b1_2, W2_2, b2_2)]
    h = x
    for (W1, b1, W2, b2) in params:
        agg = jnp.zeros((h.shape[0], h.shape[1]), dtype=h.dtype).at[dst].add(h[src])
        m = agg + h  # (1 + 0) * x + neighbor sum
        h = jax.nn.relu(jax.nn.relu(m @ W1 + b1) @ W2 + b2)
    h = jax.nn.relu(h @ Wl1 + bl1)
    out = h @ Wl2 + bl2
    return out

if __name__ == "__main__":
    import jax
    _d = setup_inputs()
    print(jax.jit(kernel)(*tuple(_d.values())))

</pallas_src>

<mosaic_0001>
#map = affine_map<(d0, d1) -> (0, 0, 0)>
#map1 = affine_map<(d0, d1) -> (0, 0)>
module attributes {stable_mosaic.version = 14 : i64} {
  func.func @agg(%arg0: i32, %arg1: i32, %arg2: memref<2x10000x128xf32, #tpu.memory_space<hbm>>, %arg3: memref<2560x125xi32, #tpu.memory_space<hbm>>, %arg4: memref<2560x125xi32, #tpu.memory_space<hbm>>, %arg5: memref<624x128xf32, #tpu.memory_space<hbm>>, %arg6: memref<2x10000x128xf32, #tpu.memory_space<hbm>>, %arg7: memref<10000x128xf32, #tpu.memory_space<vmem_shared>>, %arg8: memref<16x125xi32, #tpu.memory_space<vmem>>, %arg9: memref<16x125xi32, #tpu.memory_space<vmem>>, %arg10: memref<125x128xf32, #tpu.memory_space<vmem>>, %arg11: memref<!tpu.dma_semaphore, #tpu.memory_space<semaphore_mem>>) attributes {dimension_semantics = [#tpu.dimension_semantics<core_parallel>, #tpu.dimension_semantics<subcore_parallel>], iteration_bounds = array<i64: 2, 16>, scalar_prefetch = 0 : i64, scratch_operands = 5 : i64, tpu.core_type = #tpu.core_type<sc_vector_subcore>, window_params = [{transform_indices = #map}, {transform_indices = #map1}, {transform_indices = #map1}, {transform_indices = #map1}, {transform_indices = #map}]} {
    %mul3A = arith.constant 624 : i32
    %mul3A_0 = arith.muli %arg1, %mul3A : i32
    "tpu.region"() ({
      %run_scoped3A = tpu.sem_alloc : memref<!tpu.dma_semaphore, #tpu.memory_space<semaphore_mem>>
      %dma_start3A = arith.constant 0 : i32
      %dma_start3A_16 = tpu.memref_slice %arg7[%mul3A_0, %dma_start3A] : memref<10000x128xf32, #tpu.memory_space<vmem_shared>> -> memref<624x128xf32, #tpu.memory_space<vmem_shared>>
      %dma_start3A_17 = arith.constant 0 : i32
      %dma_start3A_18 = arith.constant 0 : i32
      %dma_start3A_19 = tpu.memref_slice %arg5[%dma_start3A_17, %dma_start3A_18] : memref<624x128xf32, #tpu.memory_space<hbm>> -> memref<624x128xf32, #tpu.memory_space<hbm>>
      tpu.enqueue_dma source(%dma_start3A_19 : memref<624x128xf32, #tpu.memory_space<hbm>>) target(%dma_start3A_16 : memref<624x128xf32, #tpu.memory_space<vmem_shared>>) target_semaphore(%run_scoped3A : memref<!tpu.dma_semaphore, #tpu.memory_space<semaphore_mem>>)
      %dma_wait3A = arith.constant 0 : i32
      %dma_wait3A_20 = tpu.memref_slice %arg7[%mul3A_0, %dma_wait3A] : memref<10000x128xf32, #tpu.memory_space<vmem_shared>> -> memref<624x128xf32, #tpu.memory_space<vmem_shared>>
      %dma_wait3A_21 = arith.constant 0 : i32
      %dma_wait3A_22 = arith.constant 0 : i32
      %dma_wait3A_23 = tpu.memref_slice %arg5[%dma_wait3A_21, %dma_wait3A_22] : memref<624x128xf32, #tpu.memory_space<hbm>> -> memref<624x128xf32, #tpu.memory_space<hbm>>
      tpu.wait_dma2 semaphore(%run_scoped3A : memref<!tpu.dma_semaphore, #tpu.memory_space<semaphore_mem>>) src(%dma_wait3A_23 : memref<624x128xf32, #tpu.memory_space<hbm>>) dst(%dma_wait3A_20 : memref<624x128xf32, #tpu.memory_space<vmem_shared>>)
      tpu.yield
    }) : () -> ()
    %eq3A = arith.constant 15 : i32
    %eq3A_1 = arith.cmpi eq, %arg1, %eq3A : i32
    %convert_element_type3A = arith.extui %eq3A_1 : i1 to i32
    %cond3A = arith.constant 0 : i32
    %cond3A_2 = arith.cmpi ne, %convert_element_type3A, %cond3A : i32
    scf.if %cond3A_2 {
      "tpu.region"() ({
        %run_scoped3A = tpu.sem_alloc : memref<!tpu.dma_semaphore, #tpu.memory_space<semaphore_mem>>
        %dma_start3A = arith.constant 9984 : i32
        %dma_start3A_16 = arith.constant 0 : i32
        %dma_start3A_17 = tpu.memref_slice %arg7[%dma_start3A, %dma_start3A_16] : memref<10000x128xf32, #tpu.memory_space<vmem_shared>> -> memref<16x128xf32, #tpu.memory_space<vmem_shared>>
        %dma_start3A_18 = arith.constant 0 : i32
        %dma_start3A_19 = arith.constant 0 : i32
        %dma_start3A_20 = tpu.memref_slice %arg5[%dma_start3A_18, %dma_start3A_19] : memref<624x128xf32, #tpu.memory_space<hbm>> -> memref<16x128xf32, #tpu.memory_space<hbm>>
        tpu.enqueue_dma source(%dma_start3A_20 : memref<16x128xf32, #tpu.memory_space<hbm>>) target(%dma_start3A_17 : memref<16x128xf32, #tpu.memory_space<vmem_shared>>) target_semaphore(%run_scoped3A : memref<!tpu.dma_semaphore, #tpu.memory_space<semaphore_mem>>)
        %dma_wait3A = arith.constant 9984 : i32
        %dma_wait3A_21 = arith.constant 0 : i32
        %dma_wait3A_22 = tpu.memref_slice %arg7[%dma_wait3A, %dma_wait3A_21] : memref<10000x128xf32, #tpu.memory_space<vmem_shared>> -> memref<16x128xf32, #tpu.memory_space<vmem_shared>>
        %dma_wait3A_23 = arith.constant 0 : i32
        %dma_wait3A_24 = arith.constant 0 : i32
        %dma_wait3A_25 = tpu.memref_slice %arg5[%dma_wait3A_23, %dma_wait3A_24] : memref<624x128xf32, #tpu.memory_space<hbm>> -> memref<16x128xf32, #tpu.memory_space<hbm>>
        tpu.wait_dma2 semaphore(%run_scoped3A : memref<!tpu.dma_semaphore, #tpu.memory_space<semaphore_mem>>) src(%dma_wait3A_25 : memref<16x128xf32, #tpu.memory_space<hbm>>) dst(%dma_wait3A_22 : memref<16x128xf32, #tpu.memory_space<vmem_shared>>)
        tpu.yield
      }) : () -> ()
    } else {
    }
    %mul3A_3 = arith.constant 160 : i32
    %mul3A_4 = arith.muli %arg1, %mul3A_3 : i32
    %barrier3A = arith.constant 0 : index
    tpu.barrier barrier_id(%barrier3A)
    %scan3A = arith.constant 0 : i32
    %scan3A_5 = arith.constant 0 : i32
    %scan3A_6 = arith.constant 10 : i32
    %scan3A_7 = arith.addi %scan3A_5, %scan3A_6 : i32
    %scan3A_8 = arith.constant 1 : i32
    scf.for %scan3A_16 = %scan3A_5 to %scan3A_7 step %scan3A_8  : i32 {
      %mul3A_17 = arith.constant 16 : i32
      %mul3A_18 = arith.muli %scan3A_16, %mul3A_17 : i32
      %add3A = arith.addi %mul3A_4, %mul3A_18 : i32
      "tpu.region"() ({
        %run_scoped3A = tpu.sem_alloc : memref<!tpu.dma_semaphore, #tpu.memory_space<semaphore_mem>>
        %dma_start3A = arith.constant 0 : i32
        %dma_start3A_28 = tpu.memref_slice %arg3[%add3A, %dma_start3A] : memref<2560x125xi32, #tpu.memory_space<hbm>> -> memref<16x125xi32, #tpu.memory_space<hbm>>
        %dma_start3A_29 = arith.constant 0 : i32
        %dma_start3A_30 = tpu.memref_slice %arg3[%add3A, %dma_start3A_29] : memref<2560x125xi32, #tpu.memory_space<hbm>> -> memref<16x125xi32, #tpu.memory_space<hbm>>
        tpu.enqueue_dma source(%dma_start3A_30 : memref<16x125xi32, #tpu.memory_space<hbm>>) target(%arg8 : memref<16x125xi32, #tpu.memory_space<vmem>>) target_semaphore(%run_scoped3A : memref<!tpu.dma_semaphore, #tpu.memory_space<semaphore_mem>>)
        %dma_wait3A = arith.constant 0 : i32
        %dma_wait3A_31 = tpu.memref_slice %arg3[%add3A, %dma_wait3A] : memref<2560x125xi32, #tpu.memory_space<hbm>> -> memref<16x125xi32, #tpu.memory_space<hbm>>
        %dma_wait3A_32 = arith.constant 0 : i32
        %dma_wait3A_33 = tpu.memref_slice %arg3[%add3A, %dma_wait3A_32] : memref<2560x125xi32, #tpu.memory_space<hbm>> -> memref<16x125xi32, #tpu.memory_space<hbm>>
        tpu.wait_dma2 semaphore(%run_scoped3A : memref<!tpu.dma_semaphore, #tpu.memory_space<semaphore_mem>>) src(%dma_wait3A_33 : memref<16x125xi32, #tpu.memory_space<hbm>>) dst(%arg8 : memref<16x125xi32, #tpu.memory_space<vmem>>)
        tpu.yield
      }) : () -> ()
      %mul3A_19 = arith.constant 16 : i32
      %mul3A_20 = arith.muli %scan3A_16, %mul3A_19 : i32
      %add3A_21 = arith.addi %mul3A_4, %mul3A_20 : i32
      "tpu.region"() ({
        %run_scoped3A = tpu.sem_alloc : memref<!tpu.dma_semaphore, #tpu.memory_space<semaphore_mem>>
        %dma_start3A = arith.constant 0 : i32
        %dma_start3A_28 = tpu.memref_slice %arg4[%add3A_21, %dma_start3A] : memref<2560x125xi32, #tpu.memory_space<hbm>> -> memref<16x125xi32, #tpu.memory_space<hbm>>
        %dma_start3A_29 = arith.constant 0 : i32
        %dma_start3A_30 = tpu.memref_slice %arg4[%add3A_21, %dma_start3A_29] : memref<2560x125xi32, #tpu.memory_space<hbm>> -> memref<16x125xi32, #tpu.memory_space<hbm>>
        tpu.enqueue_dma source(%dma_start3A_30 : memref<16x125xi32, #tpu.memory_space<hbm>>) target(%arg9 : memref<16x125xi32, #tpu.memory_space<vmem>>) target_semaphore(%run_scoped3A : memref<!tpu.dma_semaphore, #tpu.memory_space<semaphore_mem>>)
        %dma_wait3A = arith.constant 0 : i32
        %dma_wait3A_31 = tpu.memref_slice %arg4[%add3A_21, %dma_wait3A] : memref<2560x125xi32, #tpu.memory_space<hbm>> -> memref<16x125xi32, #tpu.memory_space<hbm>>
        %dma_wait3A_32 = arith.constant 0 : i32
        %dma_wait3A_33 = tpu.memref_slice %arg4[%add3A_21, %dma_wait3A_32] : memref<2560x125xi32, #tpu.memory_space<hbm>> -> memref<16x125xi32, #tpu.memory_space<hbm>>
        tpu.wait_dma2 semaphore(%run_scoped3A : memref<!tpu.dma_semaphore, #tpu.memory_space<semaphore_mem>>) src(%dma_wait3A_33 : memref<16x125xi32, #tpu.memory_space<hbm>>) dst(%arg9 : memref<16x125xi32, #tpu.memory_space<vmem>>)
        tpu.yield
      }) : () -> ()
      %scan3A_22 = arith.constant 0 : i32
      %scan3A_23 = arith.constant 0 : i32
      %scan3A_24 = arith.constant 16 : i32
      %scan3A_25 = arith.addi %scan3A_23, %scan3A_24 : i32
      %scan3A_26 = arith.constant 1 : i32
      scf.for %scan3A_28 = %scan3A_23 to %scan3A_25 step %scan3A_26  : i32 {
        %dma_start3A = arith.constant 0 : i32
        %dma_start3A_29 = tpu.memref_slice %arg8[%scan3A_28, %dma_start3A] : memref<16x125xi32, #tpu.memory_space<vmem>> -> memref<1x125xi32, #tpu.memory_space<vmem>>
        %dma_start3A_30 = tpu.memref_squeeze %dma_start3A_29 : memref<1x125xi32, #tpu.memory_space<vmem>> -> memref<125xi32, #tpu.memory_space<vmem>>
        %dma_start3A_31 = arith.constant 0 : i32
        %dma_start3A_32 = arith.constant 0 : i32
        %dma_start3A_33 = tpu.memref_slice %arg2[%arg0, %dma_start3A_31, %dma_start3A_32] : memref<2x10000x128xf32, #tpu.memory_space<hbm>> -> memref<1x10000x128xf32, #tpu.memory_space<hbm>>
        %dma_start3A_34 = tpu.memref_squeeze %dma_start3A_33 : memref<1x10000x128xf32, #tpu.memory_space<hbm>> -> memref<10000x128xf32, #tpu.memory_space<hbm>>
        %dma_start3A_35 = arith.constant 0 : i32
        %dma_start3A_36 = arith.constant 0 : i32
        %dma_start3A_37 = tpu.memref_slice %dma_start3A_34[%dma_start3A_35, %dma_start3A_36] : memref<10000x128xf32, #tpu.memory_space<hbm>> -> memref<10000x128xf32, #tpu.memory_space<hbm>>
        tpu.enqueue_indirect_dma source(%dma_start3A_37 : memref<10000x128xf32, #tpu.memory_space<hbm>>) target(%arg10 : memref<125x128xf32, #tpu.memory_space<vmem>>) offsets(%dma_start3A_30 : memref<125xi32, #tpu.memory_space<vmem>>) semaphore(%arg11 : memref<!tpu.dma_semaphore, #tpu.memory_space<semaphore_mem>>)
        %dma_wait3A = arith.constant 0 : i32
        %dma_wait3A_38 = tpu.memref_slice %arg8[%scan3A_28, %dma_wait3A] : memref<16x125xi32, #tpu.memory_space<vmem>> -> memref<1x125xi32, #tpu.memory_space<vmem>>
        %dma_wait3A_39 = tpu.memref_squeeze %dma_wait3A_38 : memref<1x125xi32, #tpu.memory_space<vmem>> -> memref<125xi32, #tpu.memory_space<vmem>>
        %dma_wait3A_40 = arith.constant 0 : i32
        %dma_wait3A_41 = arith.constant 0 : i32
        %dma_wait3A_42 = tpu.memref_slice %arg2[%arg0, %dma_wait3A_40, %dma_wait3A_41] : memref<2x10000x128xf32, #tpu.memory_space<hbm>> -> memref<1x10000x128xf32, #tpu.memory_space<hbm>>
        %dma_wait3A_43 = tpu.memref_squeeze %dma_wait3A_42 : memref<1x10000x128xf32, #tpu.memory_space<hbm>> -> memref<10000x128xf32, #tpu.memory_space<hbm>>
        %dma_wait3A_44 = arith.constant 0 : i32
        %dma_wait3A_45 = arith.constant 0 : i32
        %dma_wait3A_46 = tpu.memref_slice %dma_wait3A_43[%dma_wait3A_44, %dma_wait3A_45] : memref<10000x128xf32, #tpu.memory_space<hbm>> -> memref<10000x128xf32, #tpu.memory_space<hbm>>
        tpu.wait_indirect_dma semaphore(%arg11 : memref<!tpu.dma_semaphore, #tpu.memory_space<semaphore_mem>>) src(%dma_wait3A_46 : memref<10000x128xf32, #tpu.memory_space<hbm>>) dst(%arg10 : memref<125x128xf32, #tpu.memory_space<vmem>>)
        "tpu.region"() ({
          %run_scoped3A = tpu.sem_alloc : memref<!tpu.dma_semaphore, #tpu.memory_space<semaphore_mem>>
          %dma_start3A_47 = arith.constant 0 : i32
          %dma_start3A_48 = tpu.memref_slice %arg9[%scan3A_28, %dma_start3A_47] : memref<16x125xi32, #tpu.memory_space<vmem>> -> memref<1x125xi32, #tpu.memory_space<vmem>>
          %dma_start3A_49 = tpu.memref_squeeze %dma_start3A_48 : memref<1x125xi32, #tpu.memory_space<vmem>> -> memref<125xi32, #tpu.memory_space<vmem>>
          %dma_start3A_50 = arith.constant 0 : i32
          %dma_start3A_51 = arith.constant 0 : i32
          %dma_start3A_52 = tpu.memref_slice %arg7[%dma_start3A_50, %dma_start3A_51] : memref<10000x128xf32, #tpu.memory_space<vmem_shared>> -> memref<10000x128xf32, #tpu.memory_space<vmem_shared>>
          tpu.enqueue_indirect_dma source(%arg10 : memref<125x128xf32, #tpu.memory_space<vmem>>) target(%dma_start3A_52 : memref<10000x128xf32, #tpu.memory_space<vmem_shared>>) offsets(%dma_start3A_49 : memref<125xi32, #tpu.memory_space<vmem>>) semaphore(%run_scoped3A : memref<!tpu.dma_semaphore, #tpu.memory_space<semaphore_mem>>) {add = true}
          %dma_wait3A_53 = arith.constant 0 : i32
          %dma_wait3A_54 = tpu.memref_slice %arg9[%scan3A_28, %dma_wait3A_53] : memref<16x125xi32, #tpu.memory_space<vmem>> -> memref<1x125xi32, #tpu.memory_space<vmem>>
          %dma_wait3A_55 = tpu.memref_squeeze %dma_wait3A_54 : memref<1x125xi32, #tpu.memory_space<vmem>> -> memref<125xi32, #tpu.memory_space<vmem>>
          %dma_wait3A_56 = arith.constant 0 : i32
          %dma_wait3A_57 = arith.constant 0 : i32
          %dma_wait3A_58 = tpu.memref_slice %arg7[%dma_wait3A_56, %dma_wait3A_57] : memref<10000x128xf32, #tpu.memory_space<vmem_shared>> -> memref<10000x128xf32, #tpu.memory_space<vmem_shared>>
          tpu.wait_indirect_dma semaphore(%run_scoped3A : memref<!tpu.dma_semaphore, #tpu.memory_space<semaphore_mem>>) src(%arg10 : memref<125x128xf32, #tpu.memory_space<vmem>>) dst(%dma_wait3A_58 : memref<10000x128xf32, #tpu.memory_space<vmem_shared>>)
          tpu.yield
        }) : () -> ()
      }
      %scan3A_27 = arith.constant 16 : i32
    }
    %scan3A_9 = arith.constant 10 : i32
    %barrier3A_10 = arith.constant 0 : index
    tpu.barrier barrier_id(%barrier3A_10)
    "tpu.region"() ({
      %run_scoped3A = tpu.sem_alloc : memref<!tpu.dma_semaphore, #tpu.memory_space<semaphore_mem>>
      %dma_start3A = arith.constant 0 : i32
      %dma_start3A_16 = tpu.memref_slice %arg6[%arg0, %mul3A_0, %dma_start3A] : memref<2x10000x128xf32, #tpu.memory_space<hbm>> -> memref<1x624x128xf32, #tpu.memory_space<hbm>>
      %dma_start3A_17 = tpu.memref_squeeze %dma_start3A_16 : memref<1x624x128xf32, #tpu.memory_space<hbm>> -> memref<624x128xf32, #tpu.memory_space<hbm>>
      %dma_start3A_18 = arith.constant 0 : i32
      %dma_start3A_19 = tpu.memref_slice %arg7[%mul3A_0, %dma_start3A_18] : memref<10000x128xf32, #tpu.memory_space<vmem_shared>> -> memref<624x128xf32, #tpu.memory_space<vmem_shared>>
      tpu.enqueue_dma source(%dma_start3A_19 : memref<624x128xf32, #tpu.memory_space<vmem_shared>>) target(%dma_start3A_17 : memref<624x128xf32, #tpu.memory_space<hbm>>) target_semaphore(%run_scoped3A : memref<!tpu.dma_semaphore, #tpu.memory_space<semaphore_mem>>)
      %dma_wait3A = arith.constant 0 : i32
      %dma_wait3A_20 = tpu.memref_slice %arg6[%arg0, %mul3A_0, %dma_wait3A] : memref<2x10000x128xf32, #tpu.memory_space<hbm>> -> memref<1x624x128xf32, #tpu.memory_space<hbm>>
      %dma_wait3A_21 = tpu.memref_squeeze %dma_wait3A_20 : memref<1x624x128xf32, #tpu.memory_space<hbm>> -> memref<624x128xf32, #tpu.memory_space<hbm>>
      %dma_wait3A_22 = arith.constant 0 : i32
      %dma_wait3A_23 = tpu.memref_slice %arg7[%mul3A_0, %dma_wait3A_22] : memref<10000x128xf32, #tpu.memory_space<vmem_shared>> -> memref<624x128xf32, #tpu.memory_space<vmem_shared>>
      tpu.wait_dma2 semaphore(%run_scoped3A : memref<!tpu.dma_semaphore, #tpu.memory_space<semaphore_mem>>) src(%dma_wait3A_23 : memref<624x128xf32, #tpu.memory_space<vmem_shared>>) dst(%dma_wait3A_21 : memref<624x128xf32, #tpu.memory_space<hbm>>)
      tpu.yield
    }) : () -> ()
    %eq3A_11 = arith.constant 15 : i32
    %eq3A_12 = arith.cmpi eq, %arg1, %eq3A_11 : i32
    %convert_element_type3A_13 = arith.extui %eq3A_12 : i1 to i32
    %cond3A_14 = arith.constant 0 : i32
    %cond3A_15 = arith.cmpi ne, %convert_element_type3A_13, %cond3A_14 : i32
    scf.if %cond3A_15 {
      "tpu.region"() ({
        %run_scoped3A = tpu.sem_alloc : memref<!tpu.dma_semaphore, #tpu.memory_space<semaphore_mem>>
        %dma_start3A = arith.constant 9984 : i32
        %dma_start3A_16 = arith.constant 0 : i32
        %dma_start3A_17 = tpu.memref_slice %arg6[%arg0, %dma_start3A, %dma_start3A_16] : memref<2x10000x128xf32, #tpu.memory_space<hbm>> -> memref<1x16x128xf32, #tpu.memory_space<hbm>>
        %dma_start3A_18 = tpu.memref_squeeze %dma_start3A_17 : memref<1x16x128xf32, #tpu.memory_space<hbm>> -> memref<16x128xf32, #tpu.memory_space<hbm>>
        %dma_start3A_19 = arith.constant 9984 : i32
        %dma_start3A_20 = arith.constant 0 : i32
        %dma_start3A_21 = tpu.memref_slice %arg7[%dma_start3A_19, %dma_start3A_20] : memref<10000x128xf32, #tpu.memory_space<vmem_shared>> -> memref<16x128xf32, #tpu.memory_space<vmem_shared>>
        tpu.enqueue_dma source(%dma_start3A_21 : memref<16x128xf32, #tpu.memory_space<vmem_shared>>) target(%dma_start3A_18 : memref<16x128xf32, #tpu.memory_space<hbm>>) target_semaphore(%run_scoped3A : memref<!tpu.dma_semaphore, #tpu.memory_space<semaphore_mem>>)
        %dma_wait3A = arith.constant 9984 : i32
        %dma_wait3A_22 = arith.constant 0 : i32
        %dma_wait3A_23 = tpu.memref_slice %arg6[%arg0, %dma_wait3A, %dma_wait3A_22] : memref<2x10000x128xf32, #tpu.memory_space<hbm>> -> memref<1x16x128xf32, #tpu.memory_space<hbm>>
        %dma_wait3A_24 = tpu.memref_squeeze %dma_wait3A_23 : memref<1x16x128xf32, #tpu.memory_space<hbm>> -> memref<16x128xf32, #tpu.memory_space<hbm>>
        %dma_wait3A_25 = arith.constant 9984 : i32
        %dma_wait3A_26 = arith.constant 0 : i32
        %dma_wait3A_27 = tpu.memref_slice %arg7[%dma_wait3A_25, %dma_wait3A_26] : memref<10000x128xf32, #tpu.memory_space<vmem_shared>> -> memref<16x128xf32, #tpu.memory_space<vmem_shared>>
        tpu.wait_dma2 semaphore(%run_scoped3A : memref<!tpu.dma_semaphore, #tpu.memory_space<semaphore_mem>>) src(%dma_wait3A_27 : memref<16x128xf32, #tpu.memory_space<vmem_shared>>) dst(%dma_wait3A_24 : memref<16x128xf32, #tpu.memory_space<hbm>>)
        tpu.yield
      }) : () -> ()
    } else {
    }
    return
  }
}

#map = affine_map<(d0, d1) -> (0, 0)>
#map1 = affine_map<(d0, d1) -> (0, 0, 0)>
module attributes {stable_mosaic.version = 14 : i64} {
  func.func @agg(%arg0: i32, %arg1: i32, %arg2: memref<10000x128xf32, #tpu.memory_space<hbm>>, %arg3: memref<2560x125xi32, #tpu.memory_space<hbm>>, %arg4: memref<2560x125xi32, #tpu.memory_space<hbm>>, %arg5: memref<624x128xf32, #tpu.memory_space<hbm>>, %arg6: memref<2x10000x128xf32, #tpu.memory_space<hbm>>, %arg7: memref<10000x128xf32, #tpu.memory_space<vmem_shared>>, %arg8: memref<16x125xi32, #tpu.memory_space<vmem>>, %arg9: memref<16x125xi32, #tpu.memory_space<vmem>>, %arg10: memref<125x128xf32, #tpu.memory_space<vmem>>, %arg11: memref<!tpu.dma_semaphore, #tpu.memory_space<semaphore_mem>>) attributes {dimension_semantics = [#tpu.dimension_semantics<core_parallel>, #tpu.dimension_semantics<subcore_parallel>], iteration_bounds = array<i64: 2, 16>, scalar_prefetch = 0 : i64, scratch_operands = 5 : i64, tpu.core_type = #tpu.core_type<sc_vector_subcore>, window_params = [{transform_indices = #map}, {transform_indices = #map}, {transform_indices = #map}, {transform_indices = #map}, {transform_indices = #map1}]} {
    %mul3A = arith.constant 624 : i32
    %mul3A_0 = arith.muli %arg1, %mul3A : i32
    "tpu.region"() ({
      %run_scoped3A = tpu.sem_alloc : memref<!tpu.dma_semaphore, #tpu.memory_space<semaphore_mem>>
      %dma_start3A = arith.constant 0 : i32
      %dma_start3A_18 = tpu.memref_slice %arg7[%mul3A_0, %dma_start3A] : memref<10000x128xf32, #tpu.memory_space<vmem_shared>> -> memref<624x128xf32, #tpu.memory_space<vmem_shared>>
      %dma_start3A_19 = arith.constant 0 : i32
      %dma_start3A_20 = arith.constant 0 : i32
      %dma_start3A_21 = tpu.memref_slice %arg5[%dma_start3A_19, %dma_start3A_20] : memref<624x128xf32, #tpu.memory_space<hbm>> -> memref<624x128xf32, #tpu.memory_space<hbm>>
      tpu.enqueue_dma source(%dma_start3A_21 : memref<624x128xf32, #tpu.memory_space<hbm>>) target(%dma_start3A_18 : memref<624x128xf32, #tpu.memory_space<vmem_shared>>) target_semaphore(%run_scoped3A : memref<!tpu.dma_semaphore, #tpu.memory_space<semaphore_mem>>)
      %dma_wait3A = arith.constant 0 : i32
      %dma_wait3A_22 = tpu.memref_slice %arg7[%mul3A_0, %dma_wait3A] : memref<10000x128xf32, #tpu.memory_space<vmem_shared>> -> memref<624x128xf32, #tpu.memory_space<vmem_shared>>
      %dma_wait3A_23 = arith.constant 0 : i32
      %dma_wait3A_24 = arith.constant 0 : i32
      %dma_wait3A_25 = tpu.memref_slice %arg5[%dma_wait3A_23, %dma_wait3A_24] : memref<624x128xf32, #tpu.memory_space<hbm>> -> memref<624x128xf32, #tpu.memory_space<hbm>>
      tpu.wait_dma2 semaphore(%run_scoped3A : memref<!tpu.dma_semaphore, #tpu.memory_space<semaphore_mem>>) src(%dma_wait3A_25 : memref<624x128xf32, #tpu.memory_space<hbm>>) dst(%dma_wait3A_22 : memref<624x128xf32, #tpu.memory_space<vmem_shared>>)
      tpu.yield
    }) : () -> ()
    %eq3A = arith.constant 15 : i32
    %eq3A_1 = arith.cmpi eq, %arg1, %eq3A : i32
    %convert_element_type3A = arith.extui %eq3A_1 : i1 to i32
    %cond3A = arith.constant 0 : i32
    %cond3A_2 = arith.cmpi ne, %convert_element_type3A, %cond3A : i32
    scf.if %cond3A_2 {
      "tpu.region"() ({
        %run_scoped3A = tpu.sem_alloc : memref<!tpu.dma_semaphore, #tpu.memory_space<semaphore_mem>>
        %dma_start3A = arith.constant 9984 : i32
        %dma_start3A_18 = arith.constant 0 : i32
        %dma_start3A_19 = tpu.memref_slice %arg7[%dma_start3A, %dma_start3A_18] : memref<10000x128xf32, #tpu.memory_space<vmem_shared>> -> memref<16x128xf32, #tpu.memory_space<vmem_shared>>
        %dma_start3A_20 = arith.constant 0 : i32
        %dma_start3A_21 = arith.constant 0 : i32
        %dma_start3A_22 = tpu.memref_slice %arg5[%dma_start3A_20, %dma_start3A_21] : memref<624x128xf32, #tpu.memory_space<hbm>> -> memref<16x128xf32, #tpu.memory_space<hbm>>
        tpu.enqueue_dma source(%dma_start3A_22 : memref<16x128xf32, #tpu.memory_space<hbm>>) target(%dma_start3A_19 : memref<16x128xf32, #tpu.memory_space<vmem_shared>>) target_semaphore(%run_scoped3A : memref<!tpu.dma_semaphore, #tpu.memory_space<semaphore_mem>>)
        %dma_wait3A = arith.constant 9984 : i32
        %dma_wait3A_23 = arith.constant 0 : i32
        %dma_wait3A_24 = tpu.memref_slice %arg7[%dma_wait3A, %dma_wait3A_23] : memref<10000x128xf32, #tpu.memory_space<vmem_shared>> -> memref<16x128xf32, #tpu.memory_space<vmem_shared>>
        %dma_wait3A_25 = arith.constant 0 : i32
        %dma_wait3A_26 = arith.constant 0 : i32
        %dma_wait3A_27 = tpu.memref_slice %arg5[%dma_wait3A_25, %dma_wait3A_26] : memref<624x128xf32, #tpu.memory_space<hbm>> -> memref<16x128xf32, #tpu.memory_space<hbm>>
        tpu.wait_dma2 semaphore(%run_scoped3A : memref<!tpu.dma_semaphore, #tpu.memory_space<semaphore_mem>>) src(%dma_wait3A_27 : memref<16x128xf32, #tpu.memory_space<hbm>>) dst(%dma_wait3A_24 : memref<16x128xf32, #tpu.memory_space<vmem_shared>>)
        tpu.yield
      }) : () -> ()
    } else {
    }
    %mul3A_3 = arith.constant 16 : i32
    %mul3A_4 = arith.muli %arg0, %mul3A_3 : i32
    %add3A = arith.addi %mul3A_4, %arg1 : i32
    %mul3A_5 = arith.constant 80 : i32
    %mul3A_6 = arith.muli %add3A, %mul3A_5 : i32
    %barrier3A = arith.constant 0 : index
    tpu.barrier barrier_id(%barrier3A)
    %scan3A = arith.constant 0 : i32
    %scan3A_7 = arith.constant 0 : i32
    %scan3A_8 = arith.constant 5 : i32
    %scan3A_9 = arith.addi %scan3A_7, %scan3A_8 : i32
    %scan3A_10 = arith.constant 1 : i32
    scf.for %scan3A_18 = %scan3A_7 to %scan3A_9 step %scan3A_10  : i32 {
      %mul3A_19 = arith.constant 16 : i32
      %mul3A_20 = arith.muli %scan3A_18, %mul3A_19 : i32
      %add3A_21 = arith.addi %mul3A_6, %mul3A_20 : i32
      "tpu.region"() ({
        %run_scoped3A = tpu.sem_alloc : memref<!tpu.dma_semaphore, #tpu.memory_space<semaphore_mem>>
        %dma_start3A = arith.constant 0 : i32
        %dma_start3A_31 = tpu.memref_slice %arg3[%add3A_21, %dma_start3A] : memref<2560x125xi32, #tpu.memory_space<hbm>> -> memref<16x125xi32, #tpu.memory_space<hbm>>
        %dma_start3A_32 = arith.constant 0 : i32
        %dma_start3A_33 = tpu.memref_slice %arg3[%add3A_21, %dma_start3A_32] : memref<2560x125xi32, #tpu.memory_space<hbm>> -> memref<16x125xi32, #tpu.memory_space<hbm>>
        tpu.enqueue_dma source(%dma_start3A_33 : memref<16x125xi32, #tpu.memory_space<hbm>>) target(%arg8 : memref<16x125xi32, #tpu.memory_space<vmem>>) target_semaphore(%run_scoped3A : memref<!tpu.dma_semaphore, #tpu.memory_space<semaphore_mem>>)
        %dma_wait3A = arith.constant 0 : i32
        %dma_wait3A_34 = tpu.memref_slice %arg3[%add3A_21, %dma_wait3A] : memref<2560x125xi32, #tpu.memory_space<hbm>> -> memref<16x125xi32, #tpu.memory_space<hbm>>
        %dma_wait3A_35 = arith.constant 0 : i32
        %dma_wait3A_36 = tpu.memref_slice %arg3[%add3A_21, %dma_wait3A_35] : memref<2560x125xi32, #tpu.memory_space<hbm>> -> memref<16x125xi32, #tpu.memory_space<hbm>>
        tpu.wait_dma2 semaphore(%run_scoped3A : memref<!tpu.dma_semaphore, #tpu.memory_space<semaphore_mem>>) src(%dma_wait3A_36 : memref<16x125xi32, #tpu.memory_space<hbm>>) dst(%arg8 : memref<16x125xi32, #tpu.memory_space<vmem>>)
        tpu.yield
      }) : () -> ()
      %mul3A_22 = arith.constant 16 : i32
      %mul3A_23 = arith.muli %scan3A_18, %mul3A_22 : i32
      %add3A_24 = arith.addi %mul3A_6, %mul3A_23 : i32
      "tpu.region"() ({
        %run_scoped3A = tpu.sem_alloc : memref<!tpu.dma_semaphore, #tpu.memory_space<semaphore_mem>>
        %dma_start3A = arith.constant 0 : i32
        %dma_start3A_31 = tpu.memref_slice %arg4[%add3A_24, %dma_start3A] : memref<2560x125xi32, #tpu.memory_space<hbm>> -> memref<16x125xi32, #tpu.memory_space<hbm>>
        %dma_start3A_32 = arith.constant 0 : i32
        %dma_start3A_33 = tpu.memref_slice %arg4[%add3A_24, %dma_start3A_32] : memref<2560x125xi32, #tpu.memory_space<hbm>> -> memref<16x125xi32, #tpu.memory_space<hbm>>
        tpu.enqueue_dma source(%dma_start3A_33 : memref<16x125xi32, #tpu.memory_space<hbm>>) target(%arg9 : memref<16x125xi32, #tpu.memory_space<vmem>>) target_semaphore(%run_scoped3A : memref<!tpu.dma_semaphore, #tpu.memory_space<semaphore_mem>>)
        %dma_wait3A = arith.constant 0 : i32
        %dma_wait3A_34 = tpu.memref_slice %arg4[%add3A_24, %dma_wait3A] : memref<2560x125xi32, #tpu.memory_space<hbm>> -> memref<16x125xi32, #tpu.memory_space<hbm>>
        %dma_wait3A_35 = arith.constant 0 : i32
        %dma_wait3A_36 = tpu.memref_slice %arg4[%add3A_24, %dma_wait3A_35] : memref<2560x125xi32, #tpu.memory_space<hbm>> -> memref<16x125xi32, #tpu.memory_space<hbm>>
        tpu.wait_dma2 semaphore(%run_scoped3A : memref<!tpu.dma_semaphore, #tpu.memory_space<semaphore_mem>>) src(%dma_wait3A_36 : memref<16x125xi32, #tpu.memory_space<hbm>>) dst(%arg9 : memref<16x125xi32, #tpu.memory_space<vmem>>)
        tpu.yield
      }) : () -> ()
      %scan3A_25 = arith.constant 0 : i32
      %scan3A_26 = arith.constant 0 : i32
      %scan3A_27 = arith.constant 16 : i32
      %scan3A_28 = arith.addi %scan3A_26, %scan3A_27 : i32
      %scan3A_29 = arith.constant 1 : i32
      scf.for %scan3A_31 = %scan3A_26 to %scan3A_28 step %scan3A_29  : i32 {
        %dma_start3A = arith.constant 0 : i32
        %dma_start3A_32 = tpu.memref_slice %arg8[%scan3A_31, %dma_start3A] : memref<16x125xi32, #tpu.memory_space<vmem>> -> memref<1x125xi32, #tpu.memory_space<vmem>>
        %dma_start3A_33 = tpu.memref_squeeze %dma_start3A_32 : memref<1x125xi32, #tpu.memory_space<vmem>> -> memref<125xi32, #tpu.memory_space<vmem>>
        %dma_start3A_34 = arith.constant 0 : i32
        %dma_start3A_35 = arith.constant 0 : i32
        %dma_start3A_36 = tpu.memref_slice %arg2[%dma_start3A_34, %dma_start3A_35] : memref<10000x128xf32, #tpu.memory_space<hbm>> -> memref<10000x128xf32, #tpu.memory_space<hbm>>
        tpu.enqueue_indirect_dma source(%dma_start3A_36 : memref<10000x128xf32, #tpu.memory_space<hbm>>) target(%arg10 : memref<125x128xf32, #tpu.memory_space<vmem>>) offsets(%dma_start3A_33 : memref<125xi32, #tpu.memory_space<vmem>>) semaphore(%arg11 : memref<!tpu.dma_semaphore, #tpu.memory_space<semaphore_mem>>)
        %dma_wait3A = arith.constant 0 : i32
        %dma_wait3A_37 = tpu.memref_slice %arg8[%scan3A_31, %dma_wait3A] : memref<16x125xi32, #tpu.memory_space<vmem>> -> memref<1x125xi32, #tpu.memory_space<vmem>>
        %dma_wait3A_38 = tpu.memref_squeeze %dma_wait3A_37 : memref<1x125xi32, #tpu.memory_space<vmem>> -> memref<125xi32, #tpu.memory_space<vmem>>
        %dma_wait3A_39 = arith.constant 0 : i32
        %dma_wait3A_40 = arith.constant 0 : i32
        %dma_wait3A_41 = tpu.memref_slice %arg2[%dma_wait3A_39, %dma_wait3A_40] : memref<10000x128xf32, #tpu.memory_space<hbm>> -> memref<10000x128xf32, #tpu.memory_space<hbm>>
        tpu.wait_indirect_dma semaphore(%arg11 : memref<!tpu.dma_semaphore, #tpu.memory_space<semaphore_mem>>) src(%dma_wait3A_41 : memref<10000x128xf32, #tpu.memory_space<hbm>>) dst(%arg10 : memref<125x128xf32, #tpu.memory_space<vmem>>)
        "tpu.region"() ({
          %run_scoped3A = tpu.sem_alloc : memref<!tpu.dma_semaphore, #tpu.memory_space<semaphore_mem>>
          %dma_start3A_42 = arith.constant 0 : i32
          %dma_start3A_43 = tpu.memref_slice %arg9[%scan3A_31, %dma_start3A_42] : memref<16x125xi32, #tpu.memory_space<vmem>> -> memref<1x125xi32, #tpu.memory_space<vmem>>
          %dma_start3A_44 = tpu.memref_squeeze %dma_start3A_43 : memref<1x125xi32, #tpu.memory_space<vmem>> -> memref<125xi32, #tpu.memory_space<vmem>>
          %dma_start3A_45 = arith.constant 0 : i32
          %dma_start3A_46 = arith.constant 0 : i32
          %dma_start3A_47 = tpu.memref_slice %arg7[%dma_start3A_45, %dma_start3A_46] : memref<10000x128xf32, #tpu.memory_space<vmem_shared>> -> memref<10000x128xf32, #tpu.memory_space<vmem_shared>>
          tpu.enqueue_indirect_dma source(%arg10 : memref<125x128xf32, #tpu.memory_space<vmem>>) target(%dma_start3A_47 : memref<10000x128xf32, #tpu.memory_space<vmem_shared>>) offsets(%dma_start3A_44 : memref<125xi32, #tpu.memory_space<vmem>>) semaphore(%run_scoped3A : memref<!tpu.dma_semaphore, #tpu.memory_space<semaphore_mem>>) {add = true}
          %dma_wait3A_48 = arith.constant 0 : i32
          %dma_wait3A_49 = tpu.memref_slice %arg9[%scan3A_31, %dma_wait3A_48] : memref<16x125xi32, #tpu.memory_space<vmem>> -> memref<1x125xi32, #tpu.memory_space<vmem>>
          %dma_wait3A_50 = tpu.memref_squeeze %dma_wait3A_49 : memref<1x125xi32, #tpu.memory_space<vmem>> -> memref<125xi32, #tpu.memory_space<vmem>>
          %dma_wait3A_51 = arith.constant 0 : i32
          %dma_wait3A_52 = arith.constant 0 : i32
          %dma_wait3A_53 = tpu.memref_slice %arg7[%dma_wait3A_51, %dma_wait3A_52] : memref<10000x128xf32, #tpu.memory_space<vmem_shared>> -> memref<10000x128xf32, #tpu.memory_space<vmem_shared>>
          tpu.wait_indirect_dma semaphore(%run_scoped3A : memref<!tpu.dma_semaphore, #tpu.memory_space<semaphore_mem>>) src(%arg10 : memref<125x128xf32, #tpu.memory_space<vmem>>) dst(%dma_wait3A_53 : memref<10000x128xf32, #tpu.memory_space<vmem_shared>>)
          tpu.yield
        }) : () -> ()
      }
      %scan3A_30 = arith.constant 16 : i32
    }
    %scan3A_11 = arith.constant 5 : i32
    %barrier3A_12 = arith.constant 0 : index
    tpu.barrier barrier_id(%barrier3A_12)
    "tpu.region"() ({
      %run_scoped3A = tpu.sem_alloc : memref<!tpu.dma_semaphore, #tpu.memory_space<semaphore_mem>>
      %dma_start3A = arith.constant 0 : i32
      %dma_start3A_18 = tpu.memref_slice %arg6[%arg0, %mul3A_0, %dma_start3A] : memref<2x10000x128xf32, #tpu.memory_space<hbm>> -> memref<1x624x128xf32, #tpu.memory_space<hbm>>
      %dma_start3A_19 = tpu.memref_squeeze %dma_start3A_18 : memref<1x624x128xf32, #tpu.memory_space<hbm>> -> memref<624x128xf32, #tpu.memory_space<hbm>>
      %dma_start3A_20 = arith.constant 0 : i32
      %dma_start3A_21 = tpu.memref_slice %arg7[%mul3A_0, %dma_start3A_20] : memref<10000x128xf32, #tpu.memory_space<vmem_shared>> -> memref<624x128xf32, #tpu.memory_space<vmem_shared>>
      tpu.enqueue_dma source(%dma_start3A_21 : memref<624x128xf32, #tpu.memory_space<vmem_shared>>) target(%dma_start3A_19 : memref<624x128xf32, #tpu.memory_space<hbm>>) target_semaphore(%run_scoped3A : memref<!tpu.dma_semaphore, #tpu.memory_space<semaphore_mem>>)
      %dma_wait3A = arith.constant 0 : i32
      %dma_wait3A_22 = tpu.memref_slice %arg6[%arg0, %mul3A_0, %dma_wait3A] : memref<2x10000x128xf32, #tpu.memory_space<hbm>> -> memref<1x624x128xf32, #tpu.memory_space<hbm>>
      %dma_wait3A_23 = tpu.memref_squeeze %dma_wait3A_22 : memref<1x624x128xf32, #tpu.memory_space<hbm>> -> memref<624x128xf32, #tpu.memory_space<hbm>>
      %dma_wait3A_24 = arith.constant 0 : i32
      %dma_wait3A_25 = tpu.memref_slice %arg7[%mul3A_0, %dma_wait3A_24] : memref<10000x128xf32, #tpu.memory_space<vmem_shared>> -> memref<624x128xf32, #tpu.memory_space<vmem_shared>>
      tpu.wait_dma2 semaphore(%run_scoped3A : memref<!tpu.dma_semaphore, #tpu.memory_space<semaphore_mem>>) src(%dma_wait3A_25 : memref<624x128xf32, #tpu.memory_space<vmem_shared>>) dst(%dma_wait3A_23 : memref<624x128xf32, #tpu.memory_space<hbm>>)
      tpu.yield
    }) : () -> ()
    %eq3A_13 = arith.constant 15 : i32
    %eq3A_14 = arith.cmpi eq, %arg1, %eq3A_13 : i32
    %convert_element_type3A_15 = arith.extui %eq3A_14 : i1 to i32
    %cond3A_16 = arith.constant 0 : i32
    %cond3A_17 = arith.cmpi ne, %convert_element_type3A_15, %cond3A_16 : i32
    scf.if %cond3A_17 {
      "tpu.region"() ({
        %run_scoped3A = tpu.sem_alloc : memref<!tpu.dma_semaphore, #tpu.memory_space<semaphore_mem>>
        %dma_start3A = arith.constant 9984 : i32
        %dma_start3A_18 = arith.constant 0 : i32
        %dma_start3A_19 = tpu.memref_slice %arg6[%arg0, %dma_start3A, %dma_start3A_18] : memref<2x10000x128xf32, #tpu.memory_space<hbm>> -> memref<1x16x128xf32, #tpu.memory_space<hbm>>
        %dma_start3A_20 = tpu.memref_squeeze %dma_start3A_19 : memref<1x16x128xf32, #tpu.memory_space<hbm>> -> memref<16x128xf32, #tpu.memory_space<hbm>>
        %dma_start3A_21 = arith.constant 9984 : i32
        %dma_start3A_22 = arith.constant 0 : i32
        %dma_start3A_23 = tpu.memref_slice %arg7[%dma_start3A_21, %dma_start3A_22] : memref<10000x128xf32, #tpu.memory_space<vmem_shared>> -> memref<16x128xf32, #tpu.memory_space<vmem_shared>>
        tpu.enqueue_dma source(%dma_start3A_23 : memref<16x128xf32, #tpu.memory_space<vmem_shared>>) target(%dma_start3A_20 : memref<16x128xf32, #tpu.memory_space<hbm>>) target_semaphore(%run_scoped3A : memref<!tpu.dma_semaphore, #tpu.memory_space<semaphore_mem>>)
        %dma_wait3A = arith.constant 9984 : i32
        %dma_wait3A_24 = arith.constant 0 : i32
        %dma_wait3A_25 = tpu.memref_slice %arg6[%arg0, %dma_wait3A, %dma_wait3A_24] : memref<2x10000x128xf32, #tpu.memory_space<hbm>> -> memref<1x16x128xf32, #tpu.memory_space<hbm>>
        %dma_wait3A_26 = tpu.memref_squeeze %dma_wait3A_25 : memref<1x16x128xf32, #tpu.memory_space<hbm>> -> memref<16x128xf32, #tpu.memory_space<hbm>>
        %dma_wait3A_27 = arith.constant 9984 : i32
        %dma_wait3A_28 = arith.constant 0 : i32
        %dma_wait3A_29 = tpu.memref_slice %arg7[%dma_wait3A_27, %dma_wait3A_28] : memref<10000x128xf32, #tpu.memory_space<vmem_shared>> -> memref<16x128xf32, #tpu.memory_space<vmem_shared>>
        tpu.wait_dma2 semaphore(%run_scoped3A : memref<!tpu.dma_semaphore, #tpu.memory_space<semaphore_mem>>) src(%dma_wait3A_29 : memref<16x128xf32, #tpu.memory_space<vmem_shared>>) dst(%dma_wait3A_26 : memref<16x128xf32, #tpu.memory_space<hbm>>)
        tpu.yield
      }) : () -> ()
    } else {
    }
    return
  }
}

#map = affine_map<(d0, d1) -> (0, 0, 0)>
#map1 = affine_map<(d0, d1) -> (0, 0)>
module attributes {stable_mosaic.version = 14 : i64} {
  func.func @agg(%arg0: i32, %arg1: i32, %arg2: memref<2x10000x128xf32, #tpu.memory_space<hbm>>, %arg3: memref<2560x125xi32, #tpu.memory_space<hbm>>, %arg4: memref<2560x125xi32, #tpu.memory_space<hbm>>, %arg5: memref<624x128xf32, #tpu.memory_space<hbm>>, %arg6: memref<2x10000x128xf32, #tpu.memory_space<hbm>>, %arg7: memref<10000x128xf32, #tpu.memory_space<vmem_shared>>, %arg8: memref<16x125xi32, #tpu.memory_space<vmem>>, %arg9: memref<16x125xi32, #tpu.memory_space<vmem>>, %arg10: memref<125x128xf32, #tpu.memory_space<vmem>>, %arg11: memref<!tpu.dma_semaphore, #tpu.memory_space<semaphore_mem>>) attributes {dimension_semantics = [#tpu.dimension_semantics<core_parallel>, #tpu.dimension_semantics<subcore_parallel>], iteration_bounds = array<i64: 2, 16>, scalar_prefetch = 0 : i64, scratch_operands = 5 : i64, tpu.core_type = #tpu.core_type<sc_vector_subcore>, window_params = [{transform_indices = #map}, {transform_indices = #map1}, {transform_indices = #map1}, {transform_indices = #map1}, {transform_indices = #map}]} {
    %mul3A = arith.constant 624 : i32
    %mul3A_0 = arith.muli %arg1, %mul3A : i32
    "tpu.region"() ({
      %run_scoped3A = tpu.sem_alloc : memref<!tpu.dma_semaphore, #tpu.memory_space<semaphore_mem>>
      %dma_start3A = arith.constant 0 : i32
      %dma_start3A_16 = tpu.memref_slice %arg7[%mul3A_0, %dma_start3A] : memref<10000x128xf32, #tpu.memory_space<vmem_shared>> -> memref<624x128xf32, #tpu.memory_space<vmem_shared>>
      %dma_start3A_17 = arith.constant 0 : i32
      %dma_start3A_18 = arith.constant 0 : i32
      %dma_start3A_19 = tpu.memref_slice %arg5[%dma_start3A_17, %dma_start3A_18] : memref<624x128xf32, #tpu.memory_space<hbm>> -> memref<624x128xf32, #tpu.memory_space<hbm>>
      tpu.enqueue_dma source(%dma_start3A_19 : memref<624x128xf32, #tpu.memory_space<hbm>>) target(%dma_start3A_16 : memref<624x128xf32, #tpu.memory_space<vmem_shared>>) target_semaphore(%run_scoped3A : memref<!tpu.dma_semaphore, #tpu.memory_space<semaphore_mem>>)
      %dma_wait3A = arith.constant 0 : i32
      %dma_wait3A_20 = tpu.memref_slice %arg7[%mul3A_0, %dma_wait3A] : memref<10000x128xf32, #tpu.memory_space<vmem_shared>> -> memref<624x128xf32, #tpu.memory_space<vmem_shared>>
      %dma_wait3A_21 = arith.constant 0 : i32
      %dma_wait3A_22 = arith.constant 0 : i32
      %dma_wait3A_23 = tpu.memref_slice %arg5[%dma_wait3A_21, %dma_wait3A_22] : memref<624x128xf32, #tpu.memory_space<hbm>> -> memref<624x128xf32, #tpu.memory_space<hbm>>
      tpu.wait_dma2 semaphore(%run_scoped3A : memref<!tpu.dma_semaphore, #tpu.memory_space<semaphore_mem>>) src(%dma_wait3A_23 : memref<624x128xf32, #tpu.memory_space<hbm>>) dst(%dma_wait3A_20 : memref<624x128xf32, #tpu.memory_space<vmem_shared>>)
      tpu.yield
    }) : () -> ()
    %eq3A = arith.constant 15 : i32
    %eq3A_1 = arith.cmpi eq, %arg1, %eq3A : i32
    %convert_element_type3A = arith.extui %eq3A_1 : i1 to i32
    %cond3A = arith.constant 0 : i32
    %cond3A_2 = arith.cmpi ne, %convert_element_type3A, %cond3A : i32
    scf.if %cond3A_2 {
      "tpu.region"() ({
        %run_scoped3A = tpu.sem_alloc : memref<!tpu.dma_semaphore, #tpu.memory_space<semaphore_mem>>
        %dma_start3A = arith.constant 9984 : i32
        %dma_start3A_16 = arith.constant 0 : i32
        %dma_start3A_17 = tpu.memref_slice %arg7[%dma_start3A, %dma_start3A_16] : memref<10000x128xf32, #tpu.memory_space<vmem_shared>> -> memref<16x128xf32, #tpu.memory_space<vmem_shared>>
        %dma_start3A_18 = arith.constant 0 : i32
        %dma_start3A_19 = arith.constant 0 : i32
        %dma_start3A_20 = tpu.memref_slice %arg5[%dma_start3A_18, %dma_start3A_19] : memref<624x128xf32, #tpu.memory_space<hbm>> -> memref<16x128xf32, #tpu.memory_space<hbm>>
        tpu.enqueue_dma source(%dma_start3A_20 : memref<16x128xf32, #tpu.memory_space<hbm>>) target(%dma_start3A_17 : memref<16x128xf32, #tpu.memory_space<vmem_shared>>) target_semaphore(%run_scoped3A : memref<!tpu.dma_semaphore, #tpu.memory_space<semaphore_mem>>)
        %dma_wait3A = arith.constant 9984 : i32
        %dma_wait3A_21 = arith.constant 0 : i32
        %dma_wait3A_22 = tpu.memref_slice %arg7[%dma_wait3A, %dma_wait3A_21] : memref<10000x128xf32, #tpu.memory_space<vmem_shared>> -> memref<16x128xf32, #tpu.memory_space<vmem_shared>>
        %dma_wait3A_23 = arith.constant 0 : i32
        %dma_wait3A_24 = arith.constant 0 : i32
        %dma_wait3A_25 = tpu.memref_slice %arg5[%dma_wait3A_23, %dma_wait3A_24] : memref<624x128xf32, #tpu.memory_space<hbm>> -> memref<16x128xf32, #tpu.memory_space<hbm>>
        tpu.wait_dma2 semaphore(%run_scoped3A : memref<!tpu.dma_semaphore, #tpu.memory_space<semaphore_mem>>) src(%dma_wait3A_25 : memref<16x128xf32, #tpu.memory_space<hbm>>) dst(%dma_wait3A_22 : memref<16x128xf32, #tpu.memory_space<vmem_shared>>)
        tpu.yield
      }) : () -> ()
    } else {
    }
    %mul3A_3 = arith.constant 160 : i32
    %mul3A_4 = arith.muli %arg1, %mul3A_3 : i32
    %barrier3A = arith.constant 0 : index
    tpu.barrier barrier_id(%barrier3A)
    %scan3A = arith.constant 0 : i32
    %scan3A_5 = arith.constant 0 : i32
    %scan3A_6 = arith.constant 10 : i32
    %scan3A_7 = arith.addi %scan3A_5, %scan3A_6 : i32
    %scan3A_8 = arith.constant 1 : i32
    scf.for %scan3A_16 = %scan3A_5 to %scan3A_7 step %scan3A_8  : i32 {
      %mul3A_17 = arith.constant 16 : i32
      %mul3A_18 = arith.muli %scan3A_16, %mul3A_17 : i32
      %add3A = arith.addi %mul3A_4, %mul3A_18 : i32
      "tpu.region"() ({
        %run_scoped3A = tpu.sem_alloc : memref<!tpu.dma_semaphore, #tpu.memory_space<semaphore_mem>>
        %dma_start3A = arith.constant 0 : i32
        %dma_start3A_28 = tpu.memref_slice %arg3[%add3A, %dma_start3A] : memref<2560x125xi32, #tpu.memory_space<hbm>> -> memref<16x125xi32, #tpu.memory_space<hbm>>
        %dma_start3A_29 = arith.constant 0 : i32
        %dma_start3A_30 = tpu.memref_slice %arg3[%add3A, %dma_start3A_29] : memref<2560x125xi32, #tpu.memory_space<hbm>> -> memref<16x125xi32, #tpu.memory_space<hbm>>
        tpu.enqueue_dma source(%dma_start3A_30 : memref<16x125xi32, #tpu.memory_space<hbm>>) target(%arg8 : memref<16x125xi32, #tpu.memory_space<vmem>>) target_semaphore(%run_scoped3A : memref<!tpu.dma_semaphore, #tpu.memory_space<semaphore_mem>>)
        %dma_wait3A = arith.constant 0 : i32
        %dma_wait3A_31 = tpu.memref_slice %arg3[%add3A, %dma_wait3A] : memref<2560x125xi32, #tpu.memory_space<hbm>> -> memref<16x125xi32, #tpu.memory_space<hbm>>
        %dma_wait3A_32 = arith.constant 0 : i32
        %dma_wait3A_33 = tpu.memref_slice %arg3[%add3A, %dma_wait3A_32] : memref<2560x125xi32, #tpu.memory_space<hbm>> -> memref<16x125xi32, #tpu.memory_space<hbm>>
        tpu.wait_dma2 semaphore(%run_scoped3A : memref<!tpu.dma_semaphore, #tpu.memory_space<semaphore_mem>>) src(%dma_wait3A_33 : memref<16x125xi32, #tpu.memory_space<hbm>>) dst(%arg8 : memref<16x125xi32, #tpu.memory_space<vmem>>)
        tpu.yield
      }) : () -> ()
      %mul3A_19 = arith.constant 16 : i32
      %mul3A_20 = arith.muli %scan3A_16, %mul3A_19 : i32
      %add3A_21 = arith.addi %mul3A_4, %mul3A_20 : i32
      "tpu.region"() ({
        %run_scoped3A = tpu.sem_alloc : memref<!tpu.dma_semaphore, #tpu.memory_space<semaphore_mem>>
        %dma_start3A = arith.constant 0 : i32
        %dma_start3A_28 = tpu.memref_slice %arg4[%add3A_21, %dma_start3A] : memref<2560x125xi32, #tpu.memory_space<hbm>> -> memref<16x125xi32, #tpu.memory_space<hbm>>
        %dma_start3A_29 = arith.constant 0 : i32
        %dma_start3A_30 = tpu.memref_slice %arg4[%add3A_21, %dma_start3A_29] : memref<2560x125xi32, #tpu.memory_space<hbm>> -> memref<16x125xi32, #tpu.memory_space<hbm>>
        tpu.enqueue_dma source(%dma_start3A_30 : memref<16x125xi32, #tpu.memory_space<hbm>>) target(%arg9 : memref<16x125xi32, #tpu.memory_space<vmem>>) target_semaphore(%run_scoped3A : memref<!tpu.dma_semaphore, #tpu.memory_space<semaphore_mem>>)
        %dma_wait3A = arith.constant 0 : i32
        %dma_wait3A_31 = tpu.memref_slice %arg4[%add3A_21, %dma_wait3A] : memref<2560x125xi32, #tpu.memory_space<hbm>> -> memref<16x125xi32, #tpu.memory_space<hbm>>
        %dma_wait3A_32 = arith.constant 0 : i32
        %dma_wait3A_33 = tpu.memref_slice %arg4[%add3A_21, %dma_wait3A_32] : memref<2560x125xi32, #tpu.memory_space<hbm>> -> memref<16x125xi32, #tpu.memory_space<hbm>>
        tpu.wait_dma2 semaphore(%run_scoped3A : memref<!tpu.dma_semaphore, #tpu.memory_space<semaphore_mem>>) src(%dma_wait3A_33 : memref<16x125xi32, #tpu.memory_space<hbm>>) dst(%arg9 : memref<16x125xi32, #tpu.memory_space<vmem>>)
        tpu.yield
      }) : () -> ()
      %scan3A_22 = arith.constant 0 : i32
      %scan3A_23 = arith.constant 0 : i32
      %scan3A_24 = arith.constant 16 : i32
      %scan3A_25 = arith.addi %scan3A_23, %scan3A_24 : i32
      %scan3A_26 = arith.constant 1 : i32
      scf.for %scan3A_28 = %scan3A_23 to %scan3A_25 step %scan3A_26  : i32 {
        %dma_start3A = arith.constant 0 : i32
        %dma_start3A_29 = tpu.memref_slice %arg8[%scan3A_28, %dma_start3A] : memref<16x125xi32, #tpu.memory_space<vmem>> -> memref<1x125xi32, #tpu.memory_space<vmem>>
        %dma_start3A_30 = tpu.memref_squeeze %dma_start3A_29 : memref<1x125xi32, #tpu.memory_space<vmem>> -> memref<125xi32, #tpu.memory_space<vmem>>
        %dma_start3A_31 = arith.constant 0 : i32
        %dma_start3A_32 = arith.constant 0 : i32
        %dma_start3A_33 = tpu.memref_slice %arg2[%arg0, %dma_start3A_31, %dma_start3A_32] : memref<2x10000x128xf32, #tpu.memory_space<hbm>> -> memref<1x10000x128xf32, #tpu.memory_space<hbm>>
        %dma_start3A_34 = tpu.memref_squeeze %dma_start3A_33 : memref<1x10000x128xf32, #tpu.memory_space<hbm>> -> memref<10000x128xf32, #tpu.memory_space<hbm>>
        %dma_start3A_35 = arith.constant 0 : i32
        %dma_start3A_36 = arith.constant 0 : i32
        %dma_start3A_37 = tpu.memref_slice %dma_start3A_34[%dma_start3A_35, %dma_start3A_36] : memref<10000x128xf32, #tpu.memory_space<hbm>> -> memref<10000x128xf32, #tpu.memory_space<hbm>>
        tpu.enqueue_indirect_dma source(%dma_start3A_37 : memref<10000x128xf32, #tpu.memory_space<hbm>>) target(%arg10 : memref<125x128xf32, #tpu.memory_space<vmem>>) offsets(%dma_start3A_30 : memref<125xi32, #tpu.memory_space<vmem>>) semaphore(%arg11 : memref<!tpu.dma_semaphore, #tpu.memory_space<semaphore_mem>>)
        %dma_wait3A = arith.constant 0 : i32
        %dma_wait3A_38 = tpu.memref_slice %arg8[%scan3A_28, %dma_wait3A] : memref<16x125xi32, #tpu.memory_space<vmem>> -> memref<1x125xi32, #tpu.memory_space<vmem>>
        %dma_wait3A_39 = tpu.memref_squeeze %dma_wait3A_38 : memref<1x125xi32, #tpu.memory_space<vmem>> -> memref<125xi32, #tpu.memory_space<vmem>>
        %dma_wait3A_40 = arith.constant 0 : i32
        %dma_wait3A_41 = arith.constant 0 : i32
        %dma_wait3A_42 = tpu.memref_slice %arg2[%arg0, %dma_wait3A_40, %dma_wait3A_41] : memref<2x10000x128xf32, #tpu.memory_space<hbm>> -> memref<1x10000x128xf32, #tpu.memory_space<hbm>>
        %dma_wait3A_43 = tpu.memref_squeeze %dma_wait3A_42 : memref<1x10000x128xf32, #tpu.memory_space<hbm>> -> memref<10000x128xf32, #tpu.memory_space<hbm>>
        %dma_wait3A_44 = arith.constant 0 : i32
        %dma_wait3A_45 = arith.constant 0 : i32
        %dma_wait3A_46 = tpu.memref_slice %dma_wait3A_43[%dma_wait3A_44, %dma_wait3A_45] : memref<10000x128xf32, #tpu.memory_space<hbm>> -> memref<10000x128xf32, #tpu.memory_space<hbm>>
        tpu.wait_indirect_dma semaphore(%arg11 : memref<!tpu.dma_semaphore, #tpu.memory_space<semaphore_mem>>) src(%dma_wait3A_46 : memref<10000x128xf32, #tpu.memory_space<hbm>>) dst(%arg10 : memref<125x128xf32, #tpu.memory_space<vmem>>)
        "tpu.region"() ({
          %run_scoped3A = tpu.sem_alloc : memref<!tpu.dma_semaphore, #tpu.memory_space<semaphore_mem>>
          %dma_start3A_47 = arith.constant 0 : i32
          %dma_start3A_48 = tpu.memref_slice %arg9[%scan3A_28, %dma_start3A_47] : memref<16x125xi32, #tpu.memory_space<vmem>> -> memref<1x125xi32, #tpu.memory_space<vmem>>
          %dma_start3A_49 = tpu.memref_squeeze %dma_start3A_48 : memref<1x125xi32, #tpu.memory_space<vmem>> -> memref<125xi32, #tpu.memory_space<vmem>>
          %dma_start3A_50 = arith.constant 0 : i32
          %dma_start3A_51 = arith.constant 0 : i32
          %dma_start3A_52 = tpu.memref_slice %arg7[%dma_start3A_50, %dma_start3A_51] : memref<10000x128xf32, #tpu.memory_space<vmem_shared>> -> memref<10000x128xf32, #tpu.memory_space<vmem_shared>>
          tpu.enqueue_indirect_dma source(%arg10 : memref<125x128xf32, #tpu.memory_space<vmem>>) target(%dma_start3A_52 : memref<10000x128xf32, #tpu.memory_space<vmem_shared>>) offsets(%dma_start3A_49 : memref<125xi32, #tpu.memory_space<vmem>>) semaphore(%run_scoped3A : memref<!tpu.dma_semaphore, #tpu.memory_space<semaphore_mem>>) {add = true}
          %dma_wait3A_53 = arith.constant 0 : i32
          %dma_wait3A_54 = tpu.memref_slice %arg9[%scan3A_28, %dma_wait3A_53] : memref<16x125xi32, #tpu.memory_space<vmem>> -> memref<1x125xi32, #tpu.memory_space<vmem>>
          %dma_wait3A_55 = tpu.memref_squeeze %dma_wait3A_54 : memref<1x125xi32, #tpu.memory_space<vmem>> -> memref<125xi32, #tpu.memory_space<vmem>>
          %dma_wait3A_56 = arith.constant 0 : i32
          %dma_wait3A_57 = arith.constant 0 : i32
          %dma_wait3A_58 = tpu.memref_slice %arg7[%dma_wait3A_56, %dma_wait3A_57] : memref<10000x128xf32, #tpu.memory_space<vmem_shared>> -> memref<10000x128xf32, #tpu.memory_space<vmem_shared>>
          tpu.wait_indirect_dma semaphore(%run_scoped3A : memref<!tpu.dma_semaphore, #tpu.memory_space<semaphore_mem>>) src(%arg10 : memref<125x128xf32, #tpu.memory_space<vmem>>) dst(%dma_wait3A_58 : memref<10000x128xf32, #tpu.memory_space<vmem_shared>>)
          tpu.yield
        }) : () -> ()
      }
      %scan3A_27 = arith.constant 16 : i32
    }
    %scan3A_9 = arith.constant 10 : i32
    %barrier3A_10 = arith.constant 0 : index
    tpu.barrier barrier_id(%barrier3A_10)
    "tpu.region"() ({
      %run_scoped3A = tpu.sem_alloc : memref<!tpu.dma_semaphore, #tpu.memory_space<semaphore_mem>>
      %dma_start3A = arith.constant 0 : i32
      %dma_start3A_16 = tpu.memref_slice %arg6[%arg0, %mul3A_0, %dma_start3A] : memref<2x10000x128xf32, #tpu.memory_space<hbm>> -> memref<1x624x128xf32, #tpu.memory_space<hbm>>
      %dma_start3A_17 = tpu.memref_squeeze %dma_start3A_16 : memref<1x624x128xf32, #tpu.memory_space<hbm>> -> memref<624x128xf32, #tpu.memory_space<hbm>>
      %dma_start3A_18 = arith.constant 0 : i32
      %dma_start3A_19 = tpu.memref_slice %arg7[%mul3A_0, %dma_start3A_18] : memref<10000x128xf32, #tpu.memory_space<vmem_shared>> -> memref<624x128xf32, #tpu.memory_space<vmem_shared>>
      tpu.enqueue_dma source(%dma_start3A_19 : memref<624x128xf32, #tpu.memory_space<vmem_shared>>) target(%dma_start3A_17 : memref<624x128xf32, #tpu.memory_space<hbm>>) target_semaphore(%run_scoped3A : memref<!tpu.dma_semaphore, #tpu.memory_space<semaphore_mem>>)
      %dma_wait3A = arith.constant 0 : i32
      %dma_wait3A_20 = tpu.memref_slice %arg6[%arg0, %mul3A_0, %dma_wait3A] : memref<2x10000x128xf32, #tpu.memory_space<hbm>> -> memref<1x624x128xf32, #tpu.memory_space<hbm>>
      %dma_wait3A_21 = tpu.memref_squeeze %dma_wait3A_20 : memref<1x624x128xf32, #tpu.memory_space<hbm>> -> memref<624x128xf32, #tpu.memory_space<hbm>>
      %dma_wait3A_22 = arith.constant 0 : i32
      %dma_wait3A_23 = tpu.memref_slice %arg7[%mul3A_0, %dma_wait3A_22] : memref<10000x128xf32, #tpu.memory_space<vmem_shared>> -> memref<624x128xf32, #tpu.memory_space<vmem_shared>>
      tpu.wait_dma2 semaphore(%run_scoped3A : memref<!tpu.dma_semaphore, #tpu.memory_space<semaphore_mem>>) src(%dma_wait3A_23 : memref<624x128xf32, #tpu.memory_space<vmem_shared>>) dst(%dma_wait3A_21 : memref<624x128xf32, #tpu.memory_space<hbm>>)
      tpu.yield
    }) : () -> ()
    %eq3A_11 = arith.constant 15 : i32
    %eq3A_12 = arith.cmpi eq, %arg1, %eq3A_11 : i32
    %convert_element_type3A_13 = arith.extui %eq3A_12 : i1 to i32
    %cond3A_14 = arith.constant 0 : i32
    %cond3A_15 = arith.cmpi ne, %convert_element_type3A_13, %cond3A_14 : i32
    scf.if %cond3A_15 {
      "tpu.region"() ({
        %run_scoped3A = tpu.sem_alloc : memref<!tpu.dma_semaphore, #tpu.memory_space<semaphore_mem>>
        %dma_start3A = arith.constant 9984 : i32
        %dma_start3A_16 = arith.constant 0 : i32
        %dma_start3A_17 = tpu.memref_slice %arg6[%arg0, %dma_start3A, %dma_start3A_16] : memref<2x10000x128xf32, #tpu.memory_space<hbm>> -> memref<1x16x128xf32, #tpu.memory_space<hbm>>
        %dma_start3A_18 = tpu.memref_squeeze %dma_start3A_17 : memref<1x16x128xf32, #tpu.memory_space<hbm>> -> memref<16x128xf32, #tpu.memory_space<hbm>>
        %dma_start3A_19 = arith.constant 9984 : i32
        %dma_start3A_20 = arith.constant 0 : i32
        %dma_start3A_21 = tpu.memref_slice %arg7[%dma_start3A_19, %dma_start3A_20] : memref<10000x128xf32, #tpu.memory_space<vmem_shared>> -> memref<16x128xf32, #tpu.memory_space<vmem_shared>>
        tpu.enqueue_dma source(%dma_start3A_21 : memref<16x128xf32, #tpu.memory_space<vmem_shared>>) target(%dma_start3A_18 : memref<16x128xf32, #tpu.memory_space<hbm>>) target_semaphore(%run_scoped3A : memref<!tpu.dma_semaphore, #tpu.memory_space<semaphore_mem>>)
        %dma_wait3A = arith.constant 9984 : i32
        %dma_wait3A_22 = arith.constant 0 : i32
        %dma_wait3A_23 = tpu.memref_slice %arg6[%arg0, %dma_wait3A, %dma_wait3A_22] : memref<2x10000x128xf32, #tpu.memory_space<hbm>> -> memref<1x16x128xf32, #tpu.memory_space<hbm>>
        %dma_wait3A_24 = tpu.memref_squeeze %dma_wait3A_23 : memref<1x16x128xf32, #tpu.memory_space<hbm>> -> memref<16x128xf32, #tpu.memory_space<hbm>>
        %dma_wait3A_25 = arith.constant 9984 : i32
        %dma_wait3A_26 = arith.constant 0 : i32
        %dma_wait3A_27 = tpu.memref_slice %arg7[%dma_wait3A_25, %dma_wait3A_26] : memref<10000x128xf32, #tpu.memory_space<vmem_shared>> -> memref<16x128xf32, #tpu.memory_space<vmem_shared>>
        tpu.wait_dma2 semaphore(%run_scoped3A : memref<!tpu.dma_semaphore, #tpu.memory_space<semaphore_mem>>) src(%dma_wait3A_27 : memref<16x128xf32, #tpu.memory_space<vmem_shared>>) dst(%dma_wait3A_24 : memref<16x128xf32, #tpu.memory_space<hbm>>)
        tpu.yield
      }) : () -> ()
    } else {
    }
    return
  }
}

module attributes {stable_mosaic.version = 14 : i64} {
  func.func @body(%arg0: i32, %arg1: memref<2x400x128xf32, #tpu.memory_space<vmem>>, %arg2: memref<400x128xf32, #tpu.memory_space<vmem>>, %arg3: memref<128x256xf32, #tpu.memory_space<vmem>>, %arg4: memref<1x256xf32, #tpu.memory_space<vmem>>, %arg5: memref<256x256xf32, #tpu.memory_space<vmem>>, %arg6: memref<1x256xf32, #tpu.memory_space<vmem>>, %arg7: memref<2x400x128xf32, #tpu.memory_space<vmem>>) attributes {dimension_semantics = [#tpu.dimension_semantics<arbitrary>], iteration_bounds = array<i64: 25>, scalar_prefetch = 0 : i64, scratch_operands = 0 : i64, tpu.core_type = #tpu.core_type<tc>, window_params = [{transform_indices = @transform_0, window_bounds = array<i64: 2, 400, 128>}, {transform_indices = @transform_1, window_bounds = array<i64: 400, 128>}, {pipeline_mode = #tpu.pipeline_mode<synchronous>, transform_indices = @transform_2, window_bounds = array<i64: 128, 256>}, {pipeline_mode = #tpu.pipeline_mode<synchronous>, transform_indices = @transform_3, window_bounds = array<i64: 1, 256>}, {pipeline_mode = #tpu.pipeline_mode<synchronous>, transform_indices = @transform_4, window_bounds = array<i64: 256, 256>}, {pipeline_mode = #tpu.pipeline_mode<synchronous>, transform_indices = @transform_5, window_bounds = array<i64: 1, 256>}, {transform_indices = @transform_6, window_bounds = array<i64: 2, 400, 128>}]} {
    %get3A = arith.constant 0 : index
    %get3A_0 = arith.constant 0 : index
    %get3A_1 = arith.constant 0 : index
    %get3A_2 = vector.load %arg1[%get3A, %get3A_0, %get3A_1] : memref<2x400x128xf32, #tpu.memory_space<vmem>>, vector<1x400x128xf32>
    %get3A_3 = vector.shape_cast %get3A_2 : vector<1x400x128xf32> to vector<400x128xf32>
    %get3A_4 = arith.constant 1 : index
    %get3A_5 = arith.constant 0 : index
    %get3A_6 = arith.constant 0 : index
    %get3A_7 = vector.load %arg1[%get3A_4, %get3A_5, %get3A_6] : memref<2x400x128xf32, #tpu.memory_space<vmem>>, vector<1x400x128xf32>
    %get3A_8 = vector.shape_cast %get3A_7 : vector<1x400x128xf32> to vector<400x128xf32>
    %add3A = arith.addf %get3A_3, %get3A_8 : vector<400x128xf32>
    %get3A_9 = arith.constant 0 : index
    %get3A_10 = arith.constant 0 : index
    %get3A_11 = vector.load %arg2[%get3A_9, %get3A_10] : memref<400x128xf32, #tpu.memory_space<vmem>>, vector<400x128xf32>
    %add3A_12 = arith.addf %add3A, %get3A_11 : vector<400x128xf32>
    %get3A_13 = arith.constant 0 : index
    %get3A_14 = arith.constant 0 : index
    %get3A_15 = vector.load %arg3[%get3A_13, %get3A_14] : memref<128x256xf32, #tpu.memory_space<vmem>>, vector<128x256xf32>
    %dot_general3A = arith.constant dense<0.000000e+00> : vector<400x256xf32>
    %dot_general3A_16 = tpu.matmul %add3A_12, %get3A_15, %dot_general3A {dimension_numbers = #tpu.dot_dimension_numbers<[1], [0], [0], [1], [0, 0, 1, 1], [], []>, transpose_lhs_hint = false} : vector<400x128xf32>, vector<128x256xf32>, vector<400x256xf32> -> vector<400x256xf32>
    %get3A_17 = arith.constant 0 : index
    %get3A_18 = arith.constant 0 : index
    %get3A_19 = vector.load %arg4[%get3A_17, %get3A_18] : memref<1x256xf32, #tpu.memory_space<vmem>>, vector<1x256xf32>
    %add3A_20 = vector.broadcast %get3A_19 : vector<1x256xf32> to vector<400x256xf32>
    %add3A_21 = arith.addf %dot_general3A_16, %add3A_20 : vector<400x256xf32>
    %max3A = arith.constant 0.000000e+00 : f32
    %max3A_22 = vector.broadcast %max3A : f32 to vector<400x256xf32>
    %max3A_23 = arith.maximumf %add3A_21, %max3A_22 : vector<400x256xf32>
    %get3A_24 = arith.constant 0 : index
    %get3A_25 = arith.constant 0 : index
    %get3A_26 = vector.load %arg5[%get3A_24, %get3A_25] : memref<256x256xf32, #tpu.memory_space<vmem>>, vector<256x256xf32>
    %dot_general3A_27 = arith.constant dense<0.000000e+00> : vector<400x256xf32>
    %dot_general3A_28 = tpu.matmul %max3A_23, %get3A_26, %dot_general3A_27 {dimension_numbers = #tpu.dot_dimension_numbers<[1], [0], [0], [1], [0, 0, 1, 1], [], []>, transpose_lhs_hint = false} : vector<400x256xf32>, vector<256x256xf32>, vector<400x256xf32> -> vector<400x256xf32>
    %get3A_29 = arith.constant 0 : index
    %get3A_30 = arith.constant 0 : index
    %get3A_31 = vector.load %arg6[%get3A_29, %get3A_30] : memref<1x256xf32, #tpu.memory_space<vmem>>, vector<1x256xf32>
    %add3A_32 = vector.broadcast %get3A_31 : vector<1x256xf32> to vector<400x256xf32>
    %add3A_33 = arith.addf %dot_general3A_28, %add3A_32 : vector<400x256xf32>
    %max3A_34 = arith.constant 0.000000e+00 : f32
    %max3A_35 = vector.broadcast %max3A_34 : f32 to vector<400x256xf32>
    %max3A_36 = arith.maximumf %add3A_33, %max3A_35 : vector<400x256xf32>
    %slice3A = vector.extract_strided_slice %max3A_36 {offsets = [0, 0], sizes = [400, 128], strides = [1, 1]} : vector<400x256xf32> to vector<400x128xf32>
    %swap3A = arith.constant 0 : index
    %swap3A_37 = arith.constant 0 : index
    %swap3A_38 = arith.constant 0 : index
    %swap3A_39 = vector.load %arg7[%swap3A, %swap3A_37, %swap3A_38] : memref<2x400x128xf32, #tpu.memory_space<vmem>>, vector<1x400x128xf32>
    %swap3A_40 = vector.shape_cast %swap3A_39 : vector<1x400x128xf32> to vector<400x128xf32>
    %swap3A_41 = vector.shape_cast %slice3A : vector<400x128xf32> to vector<1x400x128xf32>
    tpu.vector_store %arg7[%swap3A, %swap3A_37, %swap3A_38], %swap3A_41 {strides = array<i32>} : memref<2x400x128xf32, #tpu.memory_space<vmem>>, vector<1x400x128xf32>,
    %slice3A_42 = vector.extract_strided_slice %max3A_36 {offsets = [0, 128], sizes = [400, 128], strides = [1, 1]} : vector<400x256xf32> to vector<400x128xf32>
    %swap3A_43 = arith.constant 1 : index
    %swap3A_44 = arith.constant 0 : index
    %swap3A_45 = arith.constant 0 : index
    %swap3A_46 = vector.load %arg7[%swap3A_43, %swap3A_44, %swap3A_45] : memref<2x400x128xf32, #tpu.memory_space<vmem>>, vector<1x400x128xf32>
    %swap3A_47 = vector.shape_cast %swap3A_46 : vector<1x400x128xf32> to vector<400x128xf32>
    %swap3A_48 = vector.shape_cast %slice3A_42 : vector<400x128xf32> to vector<1x400x128xf32>
    tpu.vector_store %arg7[%swap3A_43, %swap3A_44, %swap3A_45], %swap3A_48 {strides = array<i32>} : memref<2x400x128xf32, #tpu.memory_space<vmem>>, vector<1x400x128xf32>,
    return
  }
  func.func @transform_0(%arg0: i32) -> (i32, i32, i32) {
    %c0_i32 = arith.constant 0 : i32
    %c0_i32_0 = arith.constant 0 : i32
    %c0_i32_1 = arith.constant 0 : i32
    return %c0_i32, %arg0, %c0_i32_0 : i32, i32, i32
  }
  func.func @transform_1(%arg0: i32) -> (i32, i32) {
    %c0_i32 = arith.constant 0 : i32
    %c0_i32_0 = arith.constant 0 : i32
    return %arg0, %c0_i32 : i32, i32
  }
  func.func @transform_2(%arg0: i32) -> (i32, i32) {
    %c0_i32 = arith.constant 0 : i32
    %c0_i32_0 = arith.constant 0 : i32
    %c0_i32_1 = arith.constant 0 : i32
    return %c0_i32, %c0_i32_0 : i32, i32
  }
  func.func @transform_3(%arg0: i32) -> (i32, i32) {
    %c0_i32 = arith.constant 0 : i32
    %c0_i32_0 = arith.constant 0 : i32
    %c0_i32_1 = arith.constant 0 : i32
    return %c0_i32, %c0_i32_0 : i32, i32
  }
  func.func @transform_4(%arg0: i32) -> (i32, i32) {
    %c0_i32 = arith.constant 0 : i32
    %c0_i32_0 = arith.constant 0 : i32
    %c0_i32_1 = arith.constant 0 : i32
    return %c0_i32, %c0_i32_0 : i32, i32
  }
  func.func @transform_5(%arg0: i32) -> (i32, i32) {
    %c0_i32 = arith.constant 0 : i32
    %c0_i32_0 = arith.constant 0 : i32
    %c0_i32_1 = arith.constant 0 : i32
    return %c0_i32, %c0_i32_0 : i32, i32
  }
  func.func @transform_6(%arg0: i32) -> (i32, i32, i32) {
    %c0_i32 = arith.constant 0 : i32
    %c0_i32_0 = arith.constant 0 : i32
    %c0_i32_1 = arith.constant 0 : i32
    return %c0_i32, %arg0, %c0_i32_0 : i32, i32, i32
  }
}

module attributes {stable_mosaic.version = 14 : i64} {
  func.func @body(%arg0: i32, %arg1: memref<2x400x128xf32, #tpu.memory_space<vmem>>, %arg2: memref<2x400x128xf32, #tpu.memory_space<vmem>>, %arg3: memref<256x256xf32, #tpu.memory_space<vmem>>, %arg4: memref<1x256xf32, #tpu.memory_space<vmem>>, %arg5: memref<256x256xf32, #tpu.memory_space<vmem>>, %arg6: memref<1x256xf32, #tpu.memory_space<vmem>>, %arg7: memref<2x400x128xf32, #tpu.memory_space<vmem>>) attributes {dimension_semantics = [#tpu.dimension_semantics<arbitrary>], iteration_bounds = array<i64: 25>, scalar_prefetch = 0 : i64, scratch_operands = 0 : i64, tpu.core_type = #tpu.core_type<tc>, window_params = [{transform_indices = @transform_0, window_bounds = array<i64: 2, 400, 128>}, {transform_indices = @transform_1, window_bounds = array<i64: 2, 400, 128>}, {pipeline_mode = #tpu.pipeline_mode<synchronous>, transform_indices = @transform_2, window_bounds = array<i64: 256, 256>}, {pipeline_mode = #tpu.pipeline_mode<synchronous>, transform_indices = @transform_3, window_bounds = array<i64: 1, 256>}, {pipeline_mode = #tpu.pipeline_mode<synchronous>, transform_indices = @transform_4, window_bounds = array<i64: 256, 256>}, {pipeline_mode = #tpu.pipeline_mode<synchronous>, transform_indices = @transform_5, window_bounds = array<i64: 1, 256>}, {transform_indices = @transform_6, window_bounds = array<i64: 2, 400, 128>}]} {
    %get3A = arith.constant 0 : index
    %get3A_0 = arith.constant 0 : index
    %get3A_1 = arith.constant 0 : index
    %get3A_2 = vector.load %arg1[%get3A, %get3A_0, %get3A_1] : memref<2x400x128xf32, #tpu.memory_space<vmem>>, vector<1x400x128xf32>
    %get3A_3 = vector.shape_cast %get3A_2 : vector<1x400x128xf32> to vector<400x128xf32>
    %get3A_4 = arith.constant 0 : index
    %get3A_5 = arith.constant 0 : index
    %get3A_6 = arith.constant 0 : index
    %get3A_7 = vector.load %arg2[%get3A_4, %get3A_5, %get3A_6] : memref<2x400x128xf32, #tpu.memory_space<vmem>>, vector<1x400x128xf32>
    %get3A_8 = vector.shape_cast %get3A_7 : vector<1x400x128xf32> to vector<400x128xf32>
    %add3A = arith.addf %get3A_3, %get3A_8 : vector<400x128xf32>
    %get3A_9 = arith.constant 1 : index
    %get3A_10 = arith.constant 0 : index
    %get3A_11 = arith.constant 0 : index
    %get3A_12 = vector.load %arg1[%get3A_9, %get3A_10, %get3A_11] : memref<2x400x128xf32, #tpu.memory_space<vmem>>, vector<1x400x128xf32>
    %get3A_13 = vector.shape_cast %get3A_12 : vector<1x400x128xf32> to vector<400x128xf32>
    %get3A_14 = arith.constant 1 : index
    %get3A_15 = arith.constant 0 : index
    %get3A_16 = arith.constant 0 : index
    %get3A_17 = vector.load %arg2[%get3A_14, %get3A_15, %get3A_16] : memref<2x400x128xf32, #tpu.memory_space<vmem>>, vector<1x400x128xf32>
    %get3A_18 = vector.shape_cast %get3A_17 : vector<1x400x128xf32> to vector<400x128xf32>
    %add3A_19 = arith.addf %get3A_13, %get3A_18 : vector<400x128xf32>
    %concatenate3A = tpu.concatenate %add3A, %add3A_19 in 1 : vector<400x128xf32>, vector<400x128xf32> -> vector<400x256xf32>
    %get3A_20 = arith.constant 0 : index
    %get3A_21 = arith.constant 0 : index
    %get3A_22 = vector.load %arg3[%get3A_20, %get3A_21] : memref<256x256xf32, #tpu.memory_space<vmem>>, vector<256x256xf32>
    %dot_general3A = arith.constant dense<0.000000e+00> : vector<400x256xf32>
    %dot_general3A_23 = tpu.matmul %concatenate3A, %get3A_22, %dot_general3A {dimension_numbers = #tpu.dot_dimension_numbers<[1], [0], [0], [1], [0, 0, 1, 1], [], []>, transpose_lhs_hint = false} : vector<400x256xf32>, vector<256x256xf32>, vector<400x256xf32> -> vector<400x256xf32>
    %get3A_24 = arith.constant 0 : index
    %get3A_25 = arith.constant 0 : index
    %get3A_26 = vector.load %arg4[%get3A_24, %get3A_25] : memref<1x256xf32, #tpu.memory_space<vmem>>, vector<1x256xf32>
    %add3A_27 = vector.broadcast %get3A_26 : vector<1x256xf32> to vector<400x256xf32>
    %add3A_28 = arith.addf %dot_general3A_23, %add3A_27 : vector<400x256xf32>
    %max3A = arith.constant 0.000000e+00 : f32
    %max3A_29 = vector.broadcast %max3A : f32 to vector<400x256xf32>
    %max3A_30 = arith.maximumf %add3A_28, %max3A_29 : vector<400x256xf32>
    %get3A_31 = arith.constant 0 : index
    %get3A_32 = arith.constant 0 : index
    %get3A_33 = vector.load %arg5[%get3A_31, %get3A_32] : memref<256x256xf32, #tpu.memory_space<vmem>>, vector<256x256xf32>
    %dot_general3A_34 = arith.constant dense<0.000000e+00> : vector<400x256xf32>
    %dot_general3A_35 = tpu.matmul %max3A_30, %get3A_33, %dot_general3A_34 {dimension_numbers = #tpu.dot_dimension_numbers<[1], [0], [0], [1], [0, 0, 1, 1], [], []>, transpose_lhs_hint = false} : vector<400x256xf32>, vector<256x256xf32>, vector<400x256xf32> -> vector<400x256xf32>
    %get3A_36 = arith.constant 0 : index
    %get3A_37 = arith.constant 0 : index
    %get3A_38 = vector.load %arg6[%get3A_36, %get3A_37] : memref<1x256xf32, #tpu.memory_space<vmem>>, vector<1x256xf32>
    %add3A_39 = vector.broadcast %get3A_38 : vector<1x256xf32> to vector<400x256xf32>
    %add3A_40 = arith.addf %dot_general3A_35, %add3A_39 : vector<400x256xf32>
    %max3A_41 = arith.constant 0.000000e+00 : f32
    %max3A_42 = vector.broadcast %max3A_41 : f32 to vector<400x256xf32>
    %max3A_43 = arith.maximumf %add3A_40, %max3A_42 : vector<400x256xf32>
    %slice3A = vector.extract_strided_slice %max3A_43 {offsets = [0, 0], sizes = [400, 128], strides = [1, 1]} : vector<400x256xf32> to vector<400x128xf32>
    %swap3A = arith.constant 0 : index
    %swap3A_44 = arith.constant 0 : index
    %swap3A_45 = arith.constant 0 : index
    %swap3A_46 = vector.load %arg7[%swap3A, %swap3A_44, %swap3A_45] : memref<2x400x128xf32, #tpu.memory_space<vmem>>, vector<1x400x128xf32>
    %swap3A_47 = vector.shape_cast %swap3A_46 : vector<1x400x128xf32> to vector<400x128xf32>
    %swap3A_48 = vector.shape_cast %slice3A : vector<400x128xf32> to vector<1x400x128xf32>
    tpu.vector_store %arg7[%swap3A, %swap3A_44, %swap3A_45], %swap3A_48 {strides = array<i32>} : memref<2x400x128xf32, #tpu.memory_space<vmem>>, vector<1x400x128xf32>,
    %slice3A_49 = vector.extract_strided_slice %max3A_43 {offsets = [0, 128], sizes = [400, 128], strides = [1, 1]} : vector<400x256xf32> to vector<400x128xf32>
    %swap3A_50 = arith.constant 1 : index
    %swap3A_51 = arith.constant 0 : index
    %swap3A_52 = arith.constant 0 : index
    %swap3A_53 = vector.load %arg7[%swap3A_50, %swap3A_51, %swap3A_52] : memref<2x400x128xf32, #tpu.memory_space<vmem>>, vector<1x400x128xf32>
    %swap3A_54 = vector.shape_cast %swap3A_53 : vector<1x400x128xf32> to vector<400x128xf32>
    %swap3A_55 = vector.shape_cast %slice3A_49 : vector<400x128xf32> to vector<1x400x128xf32>
    tpu.vector_store %arg7[%swap3A_50, %swap3A_51, %swap3A_52], %swap3A_55 {strides = array<i32>} : memref<2x400x128xf32, #tpu.memory_space<vmem>>, vector<1x400x128xf32>,
    return
  }
  func.func @transform_0(%arg0: i32) -> (i32, i32, i32) {
    %c0_i32 = arith.constant 0 : i32
    %c0_i32_0 = arith.constant 0 : i32
    %c0_i32_1 = arith.constant 0 : i32
    return %c0_i32, %arg0, %c0_i32_0 : i32, i32, i32
  }
  func.func @transform_1(%arg0: i32) -> (i32, i32, i32) {
    %c0_i32 = arith.constant 0 : i32
    %c0_i32_0 = arith.constant 0 : i32
    %c0_i32_1 = arith.constant 0 : i32
    return %c0_i32, %arg0, %c0_i32_0 : i32, i32, i32
  }
  func.func @transform_2(%arg0: i32) -> (i32, i32) {
    %c0_i32 = arith.constant 0 : i32
    %c0_i32_0 = arith.constant 0 : i32
    %c0_i32_1 = arith.constant 0 : i32
    return %c0_i32, %c0_i32_0 : i32, i32
  }
  func.func @transform_3(%arg0: i32) -> (i32, i32) {
    %c0_i32 = arith.constant 0 : i32
    %c0_i32_0 = arith.constant 0 : i32
    %c0_i32_1 = arith.constant 0 : i32
    return %c0_i32, %c0_i32_0 : i32, i32
  }
  func.func @transform_4(%arg0: i32) -> (i32, i32) {
    %c0_i32 = arith.constant 0 : i32
    %c0_i32_0 = arith.constant 0 : i32
    %c0_i32_1 = arith.constant 0 : i32
    return %c0_i32, %c0_i32_0 : i32, i32
  }
  func.func @transform_5(%arg0: i32) -> (i32, i32) {
    %c0_i32 = arith.constant 0 : i32
    %c0_i32_0 = arith.constant 0 : i32
    %c0_i32_1 = arith.constant 0 : i32
    return %c0_i32, %c0_i32_0 : i32, i32
  }
  func.func @transform_6(%arg0: i32) -> (i32, i32, i32) {
    %c0_i32 = arith.constant 0 : i32
    %c0_i32_0 = arith.constant 0 : i32
    %c0_i32_1 = arith.constant 0 : i32
    return %c0_i32, %arg0, %c0_i32_0 : i32, i32, i32
  }
}

module attributes {stable_mosaic.version = 14 : i64} {
  func.func @body(%arg0: i32, %arg1: memref<2x400x128xf32, #tpu.memory_space<vmem>>, %arg2: memref<256x256xf32, #tpu.memory_space<vmem>>, %arg3: memref<1x256xf32, #tpu.memory_space<vmem>>, %arg4: memref<256x1xf32, #tpu.memory_space<vmem>>, %arg5: memref<1x1xf32, #tpu.memory_space<vmem>>, %arg6: memref<400x1xf32, #tpu.memory_space<vmem>>) attributes {dimension_semantics = [#tpu.dimension_semantics<arbitrary>], iteration_bounds = array<i64: 25>, scalar_prefetch = 0 : i64, scratch_operands = 0 : i64, tpu.core_type = #tpu.core_type<tc>, window_params = [{transform_indices = @transform_0, window_bounds = array<i64: 2, 400, 128>}, {pipeline_mode = #tpu.pipeline_mode<synchronous>, transform_indices = @transform_1, window_bounds = array<i64: 256, 256>}, {pipeline_mode = #tpu.pipeline_mode<synchronous>, transform_indices = @transform_2, window_bounds = array<i64: 1, 256>}, {pipeline_mode = #tpu.pipeline_mode<synchronous>, transform_indices = @transform_3, window_bounds = array<i64: 256, 1>}, {pipeline_mode = #tpu.pipeline_mode<synchronous>, transform_indices = @transform_4, window_bounds = array<i64: 1, 1>}, {transform_indices = @transform_5, window_bounds = array<i64: 400, 1>}]} {
    %get3A = arith.constant 0 : index
    %get3A_0 = arith.constant 0 : index
    %get3A_1 = arith.constant 0 : index
    %get3A_2 = vector.load %arg1[%get3A, %get3A_0, %get3A_1] : memref<2x400x128xf32, #tpu.memory_space<vmem>>, vector<1x400x128xf32>
    %get3A_3 = vector.shape_cast %get3A_2 : vector<1x400x128xf32> to vector<400x128xf32>
    %get3A_4 = arith.constant 1 : index
    %get3A_5 = arith.constant 0 : index
    %get3A_6 = arith.constant 0 : index
    %get3A_7 = vector.load %arg1[%get3A_4, %get3A_5, %get3A_6] : memref<2x400x128xf32, #tpu.memory_space<vmem>>, vector<1x400x128xf32>
    %get3A_8 = vector.shape_cast %get3A_7 : vector<1x400x128xf32> to vector<400x128xf32>
    %concatenate3A = tpu.concatenate %get3A_3, %get3A_8 in 1 : vector<400x128xf32>, vector<400x128xf32> -> vector<400x256xf32>
    %get3A_9 = arith.constant 0 : index
    %get3A_10 = arith.constant 0 : index
    %get3A_11 = vector.load %arg2[%get3A_9, %get3A_10] : memref<256x256xf32, #tpu.memory_space<vmem>>, vector<256x256xf32>
    %dot_general3A = arith.constant dense<0.000000e+00> : vector<400x256xf32>
    %dot_general3A_12 = tpu.matmul %concatenate3A, %get3A_11, %dot_general3A {dimension_numbers = #tpu.dot_dimension_numbers<[1], [0], [0], [1], [0, 0, 1, 1], [], []>, transpose_lhs_hint = false} : vector<400x256xf32>, vector<256x256xf32>, vector<400x256xf32> -> vector<400x256xf32>
    %get3A_13 = arith.constant 0 : index
    %get3A_14 = arith.constant 0 : index
    %get3A_15 = vector.load %arg3[%get3A_13, %get3A_14] : memref<1x256xf32, #tpu.memory_space<vmem>>, vector<1x256xf32>
    %add3A = vector.broadcast %get3A_15 : vector<1x256xf32> to vector<400x256xf32>
    %add3A_16 = arith.addf %dot_general3A_12, %add3A : vector<400x256xf32>
    %max3A = arith.constant 0.000000e+00 : f32
    %max3A_17 = vector.broadcast %max3A : f32 to vector<400x256xf32>
    %max3A_18 = arith.maximumf %add3A_16, %max3A_17 : vector<400x256xf32>
    %get3A_19 = arith.constant 0 : index
    %get3A_20 = arith.constant 0 : index
    %get3A_21 = vector.load %arg4[%get3A_19, %get3A_20] : memref<256x1xf32, #tpu.memory_space<vmem>>, vector<256x1xf32>
    %dot_general3A_22 = arith.constant dense<0.000000e+00> : vector<400x1xf32>
    %dot_general3A_23 = tpu.matmul %max3A_18, %get3A_21, %dot_general3A_22 {dimension_numbers = #tpu.dot_dimension_numbers<[1], [0], [0], [1], [0, 0, 1, 1], [], []>, transpose_lhs_hint = false} : vector<400x256xf32>, vector<256x1xf32>, vector<400x1xf32> -> vector<400x1xf32>
    %get3A_24 = arith.constant 0 : index
    %get3A_25 = arith.constant 0 : index
    %get3A_26 = vector.load %arg5[%get3A_24, %get3A_25] : memref<1x1xf32, #tpu.memory_space<vmem>>, vector<1x1xf32>
    %add3A_27 = vector.broadcast %get3A_26 : vector<1x1xf32> to vector<400x1xf32>
    %add3A_28 = arith.addf %dot_general3A_23, %add3A_27 : vector<400x1xf32>
    %swap3A = arith.constant 0 : index
    %swap3A_29 = arith.constant 0 : index
    %swap3A_30 = vector.load %arg6[%swap3A, %swap3A_29] : memref<400x1xf32, #tpu.memory_space<vmem>>, vector<400x1xf32>
    tpu.vector_store %arg6[%swap3A, %swap3A_29], %add3A_28 {strides = array<i32>} : memref<400x1xf32, #tpu.memory_space<vmem>>, vector<400x1xf32>,
    return
  }
  func.func @transform_0(%arg0: i32) -> (i32, i32, i32) {
    %c0_i32 = arith.constant 0 : i32
    %c0_i32_0 = arith.constant 0 : i32
    %c0_i32_1 = arith.constant 0 : i32
    return %c0_i32, %arg0, %c0_i32_0 : i32, i32, i32
  }
  func.func @transform_1(%arg0: i32) -> (i32, i32) {
    %c0_i32 = arith.constant 0 : i32
    %c0_i32_0 = arith.constant 0 : i32
    %c0_i32_1 = arith.constant 0 : i32
    return %c0_i32, %c0_i32_0 : i32, i32
  }
  func.func @transform_2(%arg0: i32) -> (i32, i32) {
    %c0_i32 = arith.constant 0 : i32
    %c0_i32_0 = arith.constant 0 : i32
    %c0_i32_1 = arith.constant 0 : i32
    return %c0_i32, %c0_i32_0 : i32, i32
  }
  func.func @transform_3(%arg0: i32) -> (i32, i32) {
    %c0_i32 = arith.constant 0 : i32
    %c0_i32_0 = arith.constant 0 : i32
    %c0_i32_1 = arith.constant 0 : i32
    return %c0_i32, %c0_i32_0 : i32, i32
  }
  func.func @transform_4(%arg0: i32) -> (i32, i32) {
    %c0_i32 = arith.constant 0 : i32
    %c0_i32_0 = arith.constant 0 : i32
    %c0_i32_1 = arith.constant 0 : i32
    return %c0_i32, %c0_i32_0 : i32, i32
  }
  func.func @transform_5(%arg0: i32) -> (i32, i32) {
    %c0_i32 = arith.constant 0 : i32
    %c0_i32_0 = arith.constant 0 : i32
    return %arg0, %c0_i32 : i32, i32
  }
}

</mosaic_0001>

<sc_bundles>
// kernel: kernel.12.cloned.1.call-start
scs
__scs_entry_jumppad:
0x0: {  	(pc) =	sbr.rel $0x88, $3  }
0x1: {  	(tag) =	ssettag $0x0;
	lr =	simm.s32 $0x1  }
0x2: {  	[smem:$0x3F8F] =	sst lr;
	_ =	strace $0xD0000000  }
0x3: {  	_ = 	snop  }
0x4: {  	_ = 	snop  }
0x5: {  	_ = 	snop  }
0x6: {  	_ = 	snop  }
0x7: {  	_ = 	snop  }
__scs_overlays_trampoline_lowered:
0x8: {  	[smem:$0x3F9E] =	sst s0  }
0x9: {  	[smem:$0x3F9F] =	sst s1  }
0xa: {  	[smem:$0x3FA0] =	sst s2  }
0xb: {  	[smem:$0x3FA1] =	sst s3  }
0xc: {  	[smem:$0x3FA2] =	sst s4  }
0xd: {  	[smem:$0x3FA3] =	sst s5  }
0xe: {  	[smem:$0x3FA4] =	sst s6  }
0xf: {  	[smem:$0x3FA5] =	sst s7  }
0x10: {  	[smem:$0x3FA6] =	sst s8  }
0x11: {  	[smem:$0x3FA7] =	sst s9;
	s0 =	simm.s32 @!p0 $0x0  }
0x12: {  	s1 =	sld [smem:$0x3F8D];
	s0 =	simm.s32 @p0 $0x1  }
0x13: {  	[smem:$0x3FA8] =	sst s0;
	s0 =	simm.s32 @!p1 $0x0  }
0x14: {  	s2 =	sld [smem:$0x3F8C];
	s0 =	simm.s32 @p1 $0x1  }
0x15: {  	[smem:$0x3FA9] =	sst s0;
	s0 =	simm.s32 @!p2 $0x0  }
0x16: {  	s3 =	sld [smem:$0x3FDB];
	s0 =	simm.s32 @p2 $0x1  }
0x17: {  	s4 =	simm.s32 $0x1BF5;
	[smem:$0x3FAB] =	sst s0  }
0x18: {  	s0 =	sld [smem:$0x3F8E];
	_ =	swait.ge [sflag:s4], $0x0  }
0x19: {  	s7 =	sld [smem:$0x3F8F]  }
0x1a: {  	s8 =	sadd.s32 $0xFFFFE003, lr  }
0x1b: {  	s9 =	sadd.s32 $0xFFFFFEF7, lr;
	s5 =	simm.s32 $0xFFFFFFFF;
	p2 =	slt.u32 s8, $0xFFFFF086  }
0x1c: {  	p1 =	slt.u32 s9, $0xF7A;
	s5 =	simm.s32 @!p2 $0x0  }
0x1d: {  	s5 =	simm.s32 @p1 $0x1;
	p0 =	seq.s32 s7, s2  }
0x1e: {  	s7 =	smul.u32 @!p0 $0xF7A, s2;
	p2 =	seq.s32 @!p0 s5, $0x0  }
0x1f: {  	s9 =	smul.u32 $0xF7A, s1;
	s8 =	simm.s32 @!p0 $0x1BF5;
	p2 =	por !p2, p0  }
0x20: {  	[sflag:s8] =	ssyncset.s32 @!p0 $0xFFFFF086;
	s6 =	sadd.s32 @!p0 s3, s7;
	s7 =	simm.s32 @!p0 $0x108  }
0x21: {  	s3 =	sadd.s32 s3, s9;
	s6 =	sadd.s32 @!p0 $0x88, s6;
	s7 =	simm.s32 @p2 $0x1082  }
0x22: {  	[simem:s7], [sflag:s8] =	dma.local @!p0 [hbm:s6], $0xF7A  }
0x23: {  	s9 =	sor.u32 $0xD0000000, s2;
	s6 =	simm.s32 $0x108;
	_ =	swait.ge @!p0 [sflag:s8], $0x0  }
0x24: {  	s3 =	sadd.s32 $0x88, s3;
	s6 =	simm.s32 @!p1 $0x1082;
	[sflag:s4] =	ssyncset.s32 $0xFFFFF086  }
0x25: {  	[simem:s6], [sflag:s4] =	dma.local [hbm:s3], $0xF7A  }
0x26: {  	[smem:$0x3F8F] =	sst s1;
	(tag) =	ssettag s2;
	_ =	strace s9  }
0x27: {  	s1 =	sld [smem:$0x3F9F]  }
0x28: {  	s2 =	sld [smem:$0x3FA0]  }
0x29: {  	s4 =	sld [smem:$0x3FA2]  }
0x2a: {  	p0 =	seq.s32 s5, $0x0;
	s5 =	sld [smem:$0x3FA3]  }
0x2b: {  	s6 =	sld [smem:$0x3FA4]  }
0x2c: {  	s7 =	sld [smem:$0x3FA5]  }
0x2d: {  	s3 =	simm.s32 $0x108;
	s8 =	sld [smem:$0x3FA6]  }
0x2e: {  	s3 =	simm.s32 @!p0 $0x1082;
	s9 =	sld [smem:$0x3FA7]  }
0x2f: {  	lr =	sadd.s32 s0, s3;
	s0 =	sld [smem:$0x3F9E]  }
0x30: {  	s3 =	sld [smem:$0x3FA1]  }
0x31: {  	[smem:$0x3FAA] =	sst s10  }
0x32: {  	s10 =	sld [smem:$0x3FA8];
	_ =	sdelay $0x3  }
0x33: {  	p0 =	seq.s32 s10, $0x1;
	s10 =	sld [smem:$0x3FAA];
	_ =	sdelay $0x3  }
0x34: {  	[smem:$0x3FAA] =	sst s10  }
0x35: {  	s10 =	sld [smem:$0x3FA9];
	_ =	sdelay $0x3  }
0x36: {  	p1 =	seq.s32 s10, $0x1;
	s10 =	sld [smem:$0x3FAA];
	_ =	sdelay $0x3  }
0x37: {  	[smem:$0x3FAA] =	sst s10  }
0x38: {  	s10 =	sld [smem:$0x3FAB]  }
0x39: {  	_ = 	snop;
	(pc) =	sbr.ind lr, $3  }
0x3a: {  	_ = 	snop  }
0x3b: {  	_ = 	snop  }
0x3c: {  	p2 =	seq.s32 s10, $0x1;
	s10 =	sld [smem:$0x3FAA]  }
0x3d: {  	_ =	shalt  }
0x3e: {  	_ =	shalt  }
0x3f: {  	_ =	shalt  }
0x40: {  	_ =	shalt  }
0x41: {  	_ =	shalt  }
0x42: {  	_ =	shalt  }
0x43: {  	_ =	shalt  }
0x44: {  	_ =	shalt  }
0x45: {  	_ =	shalt  }
0x46: {  	_ =	shalt  }
0x47: {  	_ =	shalt  }
0x48: {  	_ =	shalt  }
0x49: {  	_ =	shalt  }
0x4a: {  	_ =	shalt  }
0x4b: {  	_ =	shalt  }
0x4c: {  	_ =	shalt  }
0x4d: {  	_ =	shalt  }
0x4e: {  	_ =	shalt  }
0x4f: {  	_ =	shalt  }
0x50: {  	_ =	shalt  }
0x51: {  	_ =	shalt  }
0x52: {  	_ =	shalt  }
0x53: {  	_ =	shalt  }
0x54: {  	_ =	shalt  }
0x55: {  	_ =	shalt  }
0x56: {  	_ =	shalt  }
0x57: {  	_ =	shalt  }
0x58: {  	_ =	shalt  }
0x59: {  	_ =	shalt  }
0x5a: {  	_ =	shalt  }
0x5b: {  	_ =	shalt  }
0x5c: {  	_ =	shalt  }
0x5d: {  	_ =	shalt  }
0x5e: {  	_ =	shalt  }
0x5f: {  	_ =	shalt  }
0x60: {  	_ =	shalt  }
0x61: {  	_ =	shalt  }
0x62: {  	_ =	shalt  }
0x63: {  	_ =	shalt  }
0x64: {  	_ =	shalt  }
0x65: {  	_ =	shalt  }
0x66: {  	_ =	shalt  }
0x67: {  	_ =	shalt  }
0x68: {  	_ =	shalt  }
0x69: {  	_ =	shalt  }
0x6a: {  	_ =	shalt  }
0x6b: {  	_ =	shalt  }
0x6c: {  	_ =	shalt  }
0x6d: {  	_ =	shalt  }
0x6e: {  	_ =	shalt  }
0x6f: {  	_ =	shalt  }
0x70: {  	_ =	shalt  }
0x71: {  	_ =	shalt  }
0x72: {  	_ =	shalt  }
0x73: {  	_ =	shalt  }
0x74: {  	_ =	shalt  }
0x75: {  	_ =	shalt  }
0x76: {  	_ =	shalt  }
0x77: {  	_ =	shalt  }
0x78: {  	_ =	shalt  }
0x79: {  	_ =	shalt  }
0x7a: {  	_ =	shalt  }
0x7b: {  	_ =	shalt  }
0x7c: {  	_ =	shalt  }
0x7d: {  	_ =	shalt  }
0x7e: {  	_ =	shalt  }
0x7f: {  	_ =	shalt  }
0x80: {  	_ =	shalt  }
0x81: {  	_ =	shalt  }
0x82: {  	_ =	shalt  }
0x83: {  	_ =	shalt  }
0x84: {  	_ =	shalt  }
0x85: {  	_ =	shalt  }
0x86: {  	_ =	shalt  }
0x87: {  	_ =	shalt  }
.Lfunc_end0:
.L_simem_size_0:
called_computation.1_lowered:
.L_overlay_start_0:
0x88: {  	s2 =	sld [smem:$0x3FD9]  }
0x89: {  	s3 =	sld [smem:$0x3FFE];
	_ =	sdelay $0x1  }
0x8a: {  	s1 =	srdreg.scid  }
0x8b: {  	s0 =	sand.u32 $0x1, s1  }
0x8c: {  	s16 =	sshll.u32 s0, $0xA;
	s2 =	sadd.s32 s3, s2  }
0x8d: {  	s2 =	sadd.s32 s2, s16  }
0x8e: {  	[smem:$0x3FB6] =	sst s2  }
0x8f: {  	_ = 	snop  }
0x90: {  	(tm) =	ssettm $0x1  }
0x91: {  	s17 =	sld [smem:$0x3FFB];
	_ =	sdelay $0x3  }
0x92: {  	_ =	strace s17  }
0x93: {  	s2 =	sld [smem:$0x3FFC];
	_ =	sdelay $0x3  }
0x94: {  	_ =	strace s2  }
0x95: {  	s2 =	sld [smem:$0x3FFD];
	_ =	sdelay $0x3  }
0x96: {  	_ =	strace s2  }
0x97: {  	_ =	strace $0x8FFFFFFF  }
0x98: {  	s18 =	sld [smem:$0x3FDB];
	_ =	sdelay $0x1  }
0x99: {  	s19 =	simm.s32 $_scs_section_size  }
0x9a: {  	s4 =	simm.s32 $_size__tile_overlayer_lowered;
	s5 =	simm.s32 $_tile_overlayer_lowered  }
0x9b: {  	s22 =	simm.s32 $0x1BFF;
	s21 =	sshll.u32 s5, $0x1;
	s2 =	sadd.s32 s19, s18  }
0x9c: {  	s6 =	simm.s32 $0x0;
	s20 =	sshll.u32 s4, $0x1;
	s4 =	sadd.s32 s21, s2  }
0x9d: {  	[timem:s6], [sflag:s22] =	dma.local [hbm:s4], s20  }
0x9e: {  	_ =	swait.ge [sflag:s22], s20  }
0x9f: {  	s3 =	ssub.s32 $0x0, s20;
	[sflag:s22] =	ssyncset.done $0x0  }
0xa0: {  	[sflag:s22] =	ssyncadd.s32 s3;
	_ =	sdelay $0x1  }
0xa1: {  	s23 =	simm.s32 $0x1B8B  }
0xa2: {  	_ =	swait.ge [sflag:s23], $0x1  }
0xa3: {  	[sflag:s23] =	ssyncset.done $0x0  }
0xa4: {  	s25 =	simm.s32 $0x1B8E;
	s24 =	sld [smem:$0x3FFE];
	[sflag:s23] =	ssyncadd.s32 $0xFFFFFFFF  }
0xa5: {  	s26 =	simm.s32 $execute0_lowered;
	[smem:$0x3FD2] =	sst s25  }
0xa6: {  	s4 =	sshll.u32 s26, $0x1;
	_ =	strace $0x80000049;
	[dreg:$0x1] =	wrdreg $0xFFFFFFFF  }
0xa7: {  	s28 =	simm.s32 $_size_execute0_lowered;
	s2 =	sadd.s32 s2, s4;
	[dreg:$0x0] =	wrdreg $0x0  }
0xa8: {  	s4 =	sshll.u32 s28, $0x1;
	[dreg:$0x2] =	wrdreg s2  }
0xa9: {  	[dreg:$0x3] =	wrdreg s4  }
0xaa: {  	[dreg:$0x4] =	wrdreg $0xC0  }
0xab: {  	_ =	task [dreg:s6], $0x5FFFF  }
0xac: {  	[dreg:$0x1] =	wrdreg $0xFFFFFFFF  }
0xad: {  	[dreg:$0x0] =	wrdreg $0x60  }
0xae: {  	[dreg:$0x2] =	wrdreg s24  }
0xaf: {  	[dreg:$0x3] =	wrdreg $0x0  }
0xb0: {  	[dreg:$0x4] =	wrdreg $0x9  }
0xb1: {  	_ =	task.clear_ibuf [dreg:s6], $0x5FFFF;
	_ =	strace $0x90000049  }
0xb2: {  	s29 =	simm.s32 $0x9;
	_ =	strace $0x8000004B  }
0xb3: {  	_ =	swait.ge [sflag:s29], $0x1  }
0xb4: {  	[sflag:s29] =	ssyncadd.s32 $0xFFFFFFFF  }
0xb5: {  	_ =	strace $0x9000004B  }
0xb6: {  	_ =	sfence  }
0xb7: {  	s30 =	sld [smem:$0x0];
	_ =	sdelay $0x2  }
0xb8: {  	s31 =	sshll.u32 s1, $0xD;
	s1 =	sshrl.u32 s1, $0x2  }
0xb9: {  	s3 =	sand.u32 $0x4000, s31;
	s1 =	sadd.s32 s1, s30  }
0xba: {  	s0 =	sor.u32 s3, s0;
	s1 =	sshll.u32 s1, $0x11  }
0xbb: {  	s0 =	sor.u32 s1, s0  }
0xbc: {  	s0 =	sadd.s32 $0x8F2B, s0  }
0xbd: {  	[sflag:s0] =	ssyncadd.remote.s32 $0x1  }
0xbe: {  	_ =	sfence.sel $0xFFFF  }
0xbf: {  	[dreg:$0x0] =	wrdreg $0xFFFFFFFF;
	(pc) =	sbr.abs _section_cstart, $3  }
0xc0: {  	[dreg:$0x1] =	wrdreg $0xFFFFFFFF  }
0xc1: {  	_ =	task.clear_ibuf [dreg:s6], $0x2FFFF;
	_ =	strace $0x9FFFFFFF  }
0xc2: {  	(tm) =	ssettm $0x7FFFFFFF  }
0xc3: {  	_ =	shalt  }
tec
execute0_lowered:
.L_overlay_start_1:
0x0: {  	(tag) =	ssettag $0x1  }
0x1: {  	s7 =	rddreg [dreg:$0x0];
	s0 =	srdreg.scid  }
0x2: {  	s1 =	rddreg [dreg:$0x1];
	s2 =	simm.s32 $0x0;
	s17 =	simm.s32 $0x14080  }
0x3: {  	s18 =	simm.s32 $0x7D;
	s8 =	sand.u32 $0x1, s0;
	s0 =	rddreg [dreg:$0x2]  }
0x4: {  	s19 =	simm.s32 $0x14880;
	s20 =	simm.s32 $0x1;
	[smem:$0x7FF] =	sst s2  }
0x5: {  	s4 =	sadd.s32 $0x3200, s7;
	s5 =	sadd.s32 $0xD200, s7;
	s3 =	smul.u32 $0x27100, s8  }
0x6: {  	s6 =	sadd.s32 $0x17200, s7;
	s13 =	sadd.s32 $0x67C00, s7;
	s10 =	ssub.s32 $0x2, s8  }
0x7: {  	s26 =	smul.u32 $0x138800, s8;
	s9 =	sadd.s32 s3, s7;
	s3 =	stileid.u32  }
0x8: {  	s16 =	sadd.s32 $0x138000, s1;
	s11 =	sshrl.u32 s10, $0x1;
	s12 =	smul.u32 $0x4E000, s3  }
0x9: {  	_ =	strace $0x8000004A;
	s14 =	ssub.s32 s10, s11;
	s30 =	smul.u32 $0x13800, s3  }
0xa: {  	s10 =	sshrl.u32 s26, $0x3;
	s29 =	sshll.u32 s3, $0x6;
	s8 =	smul.u32 $0x5000, s3  }
0xb: {  	s9 =	sadd.s32 $0x19A00, s9;
	s31 =	sadd.s32 s13, s10;
	p0 =	sne.s32 s3, $0xF  }
0xc: {  	s7 =	sor.u32 $0x1C02, s29;
	s28 =	sshrl.u32 s12, $0x2;
	s11 =	sadd.s32 s30, s26  }
0xd: {  	s12 =	smax.u32 s14, $0x1;
	s14 =	simm.s32 $0x2;
	s11 =	sshrl.u32 s11, $0x3  }
0xe: {  	s15 =	sadd.s32 s28, s1;
	s10 =	sadd.s32 s13, s11;
	s11 =	sadd.s32 $0x27000, s31  }
0xf: {  	s13 =	sshrl.u32 s15, $0x3;
	s15 =	sshrl.u32 @!p0 s16, $0x3;
	s16 =	simm.s32 $0x13880  }
.LBB2_1:
0x10: {  	[spmem:s13], [sflag:s7] =	dma.local [hbm:s6], $0x2700  }
0x11: {  	_ =	swait.ge [sflag:s14], $0x2700  }
0x12: {  	[sflag:s14] =	ssyncset.done $0x0  }
0x13: {  	s21 =	simm.s32 @!p0 $0x2;
	[sflag:s14] =	ssyncadd.s32 $0xFFFFD900  }
0x14: {  	[spmem:s15], [sflag:s7] =	dma.local @!p0 [hbm:s6], $0x100  }
0x15: {  	_ =	swait.ge @!p0 [sflag:s21], $0x100  }
0x16: {  	[sflag:s21] =	ssyncset.done @!p0 $0x0  }
0x17: {  	[sflag:s21] =	ssyncadd.s32 @!p0 $0xFFFFFF00  }
0x18: {  	s21 =	simm.s32 $0x0;
	[bflag:$0x0] =	sbarrier.arrive $0xFFFF  }
.LBB2_2:
0x19: {  	s22 =	sshll.u32 s21, $0xB  }
0x1a: {  	s22 =	sadd.s32 s8, s22  }
0x1b: {  	s22 =	sshrl.u32 s22, $0x3  }
0x1c: {  	s24 =	simm.s32 $0x0;
	s23 =	sadd.s32 s4, s22  }
0x1d: {  	[tilespmem:s16], [sflag:$0x2] =	stream.linear.gather [hbm4b:s23+s24], $0x800, $0x38;
	[tilespmem:$0x18880] =	vst v63  }
0x1e: {  	_ =	swait.ge [sflag:s14], $0x800  }
0x1f: {  	[sflag:s14] =	ssyncset.done $0x0  }
0x20: {  	s22 =	sadd.s32 s5, s22;
	[sflag:s14] =	ssyncadd.s32 $0xFFFFF800  }
0x21: {  	[tilespmem:s17], [sflag:$0x2] =	stream.linear.gather [hbm4b:s22+s24], $0x800, $0x38;
	[tilespmem:$0x18880] =	vst v63  }
0x22: {  	_ =	swait.ge [sflag:s14], $0x800  }
0x23: {  	[sflag:s14] =	ssyncset.done $0x0  }
0x24: {  	s30 =	simm.s32 $0x13880;
	[sflag:s14] =	ssyncadd.s32 $0xFFFFF800  }
0x25: {  	[tilespmem:s19], [sflag:$0x1] =	stream.indirect.gather [hbm4b:s9+s18], $0x80, s30, s18, $0xb8;
	[tilespmem:$0x18880] =	vst v63  }
0x26: {  	_ =	swait.ge [sflag:s20], $0x3E80  }
0x27: {  	[sflag:s20] =	ssyncset.done $0x0  }
0x28: {  	s31 =	simm.s32 $0x14080;
	[sflag:s20] =	ssyncadd.s32 $0xFFFFC180  }
0x29: {  	[spmem:s1] =	stream.indirect.scatter.add.f32 [tilespmem:s19], [sflag:$0x2], $0x80, s31, s18, $0xb8;
	[tilespmem:$0x18880] =	vst v63  }
0x2a: {  	_ =	swait.ge [sflag:s14], $0x3E80  }
0x2b: {  	s23 =	simm.s32 $0x400;
	s22 =	simm.s32 $0x80;
	[sflag:s14] =	ssyncset.done $0x0  }
.LBB2_3:
0x2c: {  	s24 =	sadd.s32 $0x13880, s22  }
0x2d: {  	[sflag:s14] =	ssyncadd.s32 $0xFFFFC180;
	s25 =	smov.u32 s23;
	s26 =	sadd.s32 $0x200, s23  }
0x2e: {  	[tilespmem:s19], [sflag:$0x1] =	stream.indirect.gather [hbm4b:s9+s18], $0x80, s24, s18, $0xb8;
	[tilespmem:$0x18880] =	vst v63  }
0x2f: {  	p1 =	sne.s32 s23, $0x1E00;
	_ =	swait.ge [sflag:s20], $0x3E80  }
.Ltmp0:
0x30: {  	[sflag:s20] =	ssyncset.done $0x0;
	(pc) =	sbr.rel @p1 .LBB2_3-.Ltmp0, $4  }
0x31: {  	s22 =	sadd.s32 $0x14080, s22;
	[sflag:s20] =	ssyncadd.s32 $0xFFFFC180  }
0x32: {  	[spmem:s1] =	stream.indirect.scatter.add.f32 [tilespmem:s19], [sflag:$0x2], $0x80, s22, s18, $0xb8;
	[tilespmem:$0x18880] =	vst v63  }
0x33: {  	_ =	swait.ge [sflag:s14], $0x3E80  }
0x34: {  	s23 =	smov.u32 s26;
	s22 =	sshra.s32 s25, $0x2;
	[sflag:s14] =	ssyncset.done $0x0  }
0x35: {  	s23 =	sadd.s32 $0x13880, s22;
	[sflag:s14] =	ssyncadd.s32 $0xFFFFC180  }
0x36: {  	[tilespmem:s19], [sflag:$0x1] =	stream.indirect.gather [hbm4b:s9+s18], $0x80, s23, s18, $0xb8;
	[tilespmem:$0x18880] =	vst v63  }
0x37: {  	s21 =	sadd.s32 $0x1, s21;
	_ =	swait.ge [sflag:s20], $0x3E80  }
0x38: {  	p1 =	sne.s32 s21, $0xA;
	[sflag:s20] =	ssyncset.done $0x0  }
.Ltmp1:
0x39: {  	s31 =	sadd.s32 $0x14080, s22;
	[sflag:s20] =	ssyncadd.s32 $0xFFFFC180;
	(pc) =	sbr.rel @p1 .LBB2_2-.Ltmp1, $4  }
0x3a: {  	[spmem:s1] =	stream.indirect.scatter.add.f32 [tilespmem:s19], [sflag:$0x2], $0x80, s31, s18, $0xb8;
	[tilespmem:$0x18880] =	vst v63  }
0x3b: {  	_ =	swait.ge [sflag:s14], $0x3E80  }
0x3c: {  	[sflag:s14] =	ssyncset.done $0x0  }
0x3d: {  	[sflag:s14] =	ssyncadd.s32 $0xFFFFC180  }
0x3e: {  	[bflag:$0x0] =	sbarrier.arrive $0xFFFF  }
0x3f: {  	[hbm:s10], [sflag:s7] =	dma.local [spmem:s13], $0x2700  }
0x40: {  	s2 =	sadd.s32 $0x1, s2;
	_ =	swait.ge [sflag:s14], $0x2700  }
0x41: {  	p1 =	sne.s32 s2, s12;
	[sflag:s14] =	ssyncset.done $0x0  }
.Ltmp2:
0x42: {  	s21 =	simm.s32 @!p0 $0x2;
	[sflag:s14] =	ssyncadd.s32 $0xFFFFD900;
	(pc) =	sbr.rel @p1 .LBB2_1-.Ltmp2, $4  }
0x43: {  	[hbm:s11], [sflag:s7] =	dma.local @!p0 [spmem:s15], $0x100  }
0x44: {  	_ =	swait.ge @!p0 [sflag:s21], $0x100  }
0x45: {  	[sflag:s21] =	ssyncset.done @!p0 $0x0  }
0x46: {  	[sflag:s21] =	ssyncadd.s32 @!p0 $0xFFFFFF00  }
0x47: {  	_ =	sfence.sel $0x180000  }
0x48: {  	[bflag:$0x0] =	sbarrier.arrive $0xFFFF  }
0x49: {  	p0 =	sne.s32 s3, $0x0;
	_ =	strace $0x9000004A  }
0x4a: {  	s0 =	sadd.s32 @!p0 $0x100000, s0;
	[bflag:$0x2] =	sbarrier.arrive $0xFFFF  }
0x4b: {  	[sflag:s0] =	ssyncadd.tile.s32 @!p0 $0x1;
	_ =	shalt  }
.Lfunc_end2:
_tile_overlayer_lowered:
.L_overlay_start_2:
0x4c: {  	(tag) =	ssettag $0x2  }
0x4d: {  	s0 =	rddreg [dreg:$0x0];
	s2 =	stileid.u32  }
0x4e: {  	s1 =	rddreg [dreg:$0x1];
	p0 =	sne.s32 s2, $0x0  }
0x4f: {  	s3 =	rddreg [dreg:$0x2];
	[bflag:$0x3] =	sbarrier.arrive $0xFFFF;
	s2 =	simm.s32 @!p0 $0x1C02  }
0x50: {  	[timem:s3], [sflag:s2] =	dma.local @!p0 [hbm:s0], s1  }
0x51: {  	s0 =	simm.s32 @!p0 $0x2  }
0x52: {  	_ =	swait.ge @!p0 [sflag:s0], s1  }
0x53: {  	s1 =	ssub.s32 @!p0 $0x0, s1;
	[sflag:s0] =	ssyncset.done @!p0 $0x0  }
0x54: {  	[sflag:s0] =	ssyncadd.s32 @!p0 s1  }
0x55: {  	[bflag:$0x3] =	sbarrier.arrive $0xFFFF  }
0x56: {  	_ =	shalt  }

// kernel: kernel.15.cloned.1.call-start
scs
__scs_entry_jumppad:
0x0: {  	(pc) =	sbr.rel $0x88, $3  }
0x1: {  	(tag) =	ssettag $0x0;
	lr =	simm.s32 $0x1  }
0x2: {  	[smem:$0x3F8F] =	sst lr;
	_ =	strace $0xD0000000  }
0x3: {  	_ = 	snop  }
0x4: {  	_ = 	snop  }
0x5: {  	_ = 	snop  }
0x6: {  	_ = 	snop  }
0x7: {  	_ = 	snop  }
__scs_overlays_trampoline_lowered:
0x8: {  	[smem:$0x3F9E] =	sst s0  }
0x9: {  	[smem:$0x3F9F] =	sst s1  }
0xa: {  	[smem:$0x3FA0] =	sst s2  }
0xb: {  	[smem:$0x3FA1] =	sst s3  }
0xc: {  	[smem:$0x3FA2] =	sst s4  }
0xd: {  	[smem:$0x3FA3] =	sst s5  }
0xe: {  	[smem:$0x3FA4] =	sst s6  }
0xf: {  	[smem:$0x3FA5] =	sst s7  }
0x10: {  	[smem:$0x3FA6] =	sst s8  }
0x11: {  	[smem:$0x3FA7] =	sst s9;
	s0 =	simm.s32 @!p0 $0x0  }
0x12: {  	s1 =	sld [smem:$0x3F8D];
	s0 =	simm.s32 @p0 $0x1  }
0x13: {  	[smem:$0x3FA8] =	sst s0;
	s0 =	simm.s32 @!p1 $0x0  }
0x14: {  	s2 =	sld [smem:$0x3F8C];
	s0 =	simm.s32 @p1 $0x1  }
0x15: {  	[smem:$0x3FA9] =	sst s0;
	s0 =	simm.s32 @!p2 $0x0  }
0x16: {  	s3 =	sld [smem:$0x3FDB];
	s0 =	simm.s32 @p2 $0x1  }
0x17: {  	s4 =	simm.s32 $0x1BF5;
	[smem:$0x3FAB] =	sst s0  }
0x18: {  	s0 =	sld [smem:$0x3F8E];
	_ =	swait.ge [sflag:s4], $0x0  }
0x19: {  	s7 =	sld [smem:$0x3F8F]  }
0x1a: {  	s8 =	sadd.s32 $0xFFFFE003, lr  }
0x1b: {  	s9 =	sadd.s32 $0xFFFFFEF7, lr;
	s5 =	simm.s32 $0xFFFFFFFF;
	p2 =	slt.u32 s8, $0xFFFFF086  }
0x1c: {  	p1 =	slt.u32 s9, $0xF7A;
	s5 =	simm.s32 @!p2 $0x0  }
0x1d: {  	s5 =	simm.s32 @p1 $0x1;
	p0 =	seq.s32 s7, s2  }
0x1e: {  	s7 =	smul.u32 @!p0 $0xF7A, s2;
	p2 =	seq.s32 @!p0 s5, $0x0  }
0x1f: {  	s9 =	smul.u32 $0xF7A, s1;
	s8 =	simm.s32 @!p0 $0x1BF5;
	p2 =	por !p2, p0  }
0x20: {  	[sflag:s8] =	ssyncset.s32 @!p0 $0xFFFFF086;
	s6 =	sadd.s32 @!p0 s3, s7;
	s7 =	simm.s32 @!p0 $0x108  }
0x21: {  	s3 =	sadd.s32 s3, s9;
	s6 =	sadd.s32 @!p0 $0x88, s6;
	s7 =	simm.s32 @p2 $0x1082  }
0x22: {  	[simem:s7], [sflag:s8] =	dma.local @!p0 [hbm:s6], $0xF7A  }
0x23: {  	s9 =	sor.u32 $0xD0000000, s2;
	s6 =	simm.s32 $0x108;
	_ =	swait.ge @!p0 [sflag:s8], $0x0  }
0x24: {  	s3 =	sadd.s32 $0x88, s3;
	s6 =	simm.s32 @!p1 $0x1082;
	[sflag:s4] =	ssyncset.s32 $0xFFFFF086  }
0x25: {  	[simem:s6], [sflag:s4] =	dma.local [hbm:s3], $0xF7A  }
0x26: {  	[smem:$0x3F8F] =	sst s1;
	(tag) =	ssettag s2;
	_ =	strace s9  }
0x27: {  	s1 =	sld [smem:$0x3F9F]  }
0x28: {  	s2 =	sld [smem:$0x3FA0]  }
0x29: {  	s4 =	sld [smem:$0x3FA2]  }
0x2a: {  	p0 =	seq.s32 s5, $0x0;
	s5 =	sld [smem:$0x3FA3]  }
0x2b: {  	s6 =	sld [smem:$0x3FA4]  }
0x2c: {  	s7 =	sld [smem:$0x3FA5]  }
0x2d: {  	s3 =	simm.s32 $0x108;
	s8 =	sld [smem:$0x3FA6]  }
0x2e: {  	s3 =	simm.s32 @!p0 $0x1082;
	s9 =	sld [smem:$0x3FA7]  }
0x2f: {  	lr =	sadd.s32 s0, s3;
	s0 =	sld [smem:$0x3F9E]  }
0x30: {  	s3 =	sld [smem:$0x3FA1]  }
0x31: {  	[smem:$0x3FAA] =	sst s10  }
0x32: {  	s10 =	sld [smem:$0x3FA8];
	_ =	sdelay $0x3  }
0x33: {  	p0 =	seq.s32 s10, $0x1;
	s10 =	sld [smem:$0x3FAA];
	_ =	sdelay $0x3  }
0x34: {  	[smem:$0x3FAA] =	sst s10  }
0x35: {  	s10 =	sld [smem:$0x3FA9];
	_ =	sdelay $0x3  }
0x36: {  	p1 =	seq.s32 s10, $0x1;
	s10 =	sld [smem:$0x3FAA];
	_ =	sdelay $0x3  }
0x37: {  	[smem:$0x3FAA] =	sst s10  }
0x38: {  	s10 =	sld [smem:$0x3FAB]  }
0x39: {  	_ = 	snop;
	(pc) =	sbr.ind lr, $3  }
0x3a: {  	_ = 	snop  }
0x3b: {  	_ = 	snop  }
0x3c: {  	p2 =	seq.s32 s10, $0x1;
	s10 =	sld [smem:$0x3FAA]  }
0x3d: {  	_ =	shalt  }
0x3e: {  	_ =	shalt  }
0x3f: {  	_ =	shalt  }
0x40: {  	_ =	shalt  }
0x41: {  	_ =	shalt  }
0x42: {  	_ =	shalt  }
0x43: {  	_ =	shalt  }
0x44: {  	_ =	shalt  }
0x45: {  	_ =	shalt  }
0x46: {  	_ =	shalt  }
0x47: {  	_ =	shalt  }
0x48: {  	_ =	shalt  }
0x49: {  	_ =	shalt  }
0x4a: {  	_ =	shalt  }
0x4b: {  	_ =	shalt  }
0x4c: {  	_ =	shalt  }
0x4d: {  	_ =	shalt  }
0x4e: {  	_ =	shalt  }
0x4f: {  	_ =	shalt  }
0x50: {  	_ =	shalt  }
0x51: {  	_ =	shalt  }
0x52: {  	_ =	shalt  }
0x53: {  	_ =	shalt  }
0x54: {  	_ =	shalt  }
0x55: {  	_ =	shalt  }
0x56: {  	_ =	shalt  }
0x57: {  	_ =	shalt  }
0x58: {  	_ =	shalt  }
0x59: {  	_ =	shalt  }
0x5a: {  	_ =	shalt  }
0x5b: {  	_ =	shalt  }
0x5c: {  	_ =	shalt  }
0x5d: {  	_ =	shalt  }
0x5e: {  	_ =	shalt  }
0x5f: {  	_ =	shalt  }
0x60: {  	_ =	shalt  }
0x61: {  	_ =	shalt  }
0x62: {  	_ =	shalt  }
0x63: {  	_ =	shalt  }
0x64: {  	_ =	shalt  }
0x65: {  	_ =	shalt  }
0x66: {  	_ =	shalt  }
0x67: {  	_ =	shalt  }
0x68: {  	_ =	shalt  }
0x69: {  	_ =	shalt  }
0x6a: {  	_ =	shalt  }
0x6b: {  	_ =	shalt  }
0x6c: {  	_ =	shalt  }
0x6d: {  	_ =	shalt  }
0x6e: {  	_ =	shalt  }
0x6f: {  	_ =	shalt  }
0x70: {  	_ =	shalt  }
0x71: {  	_ =	shalt  }
0x72: {  	_ =	shalt  }
0x73: {  	_ =	shalt  }
0x74: {  	_ =	shalt  }
0x75: {  	_ =	shalt  }
0x76: {  	_ =	shalt  }
0x77: {  	_ =	shalt  }
0x78: {  	_ =	shalt  }
0x79: {  	_ =	shalt  }
0x7a: {  	_ =	shalt  }
0x7b: {  	_ =	shalt  }
0x7c: {  	_ =	shalt  }
0x7d: {  	_ =	shalt  }
0x7e: {  	_ =	shalt  }
0x7f: {  	_ =	shalt  }
0x80: {  	_ =	shalt  }
0x81: {  	_ =	shalt  }
0x82: {  	_ =	shalt  }
0x83: {  	_ =	shalt  }
0x84: {  	_ =	shalt  }
0x85: {  	_ =	shalt  }
0x86: {  	_ =	shalt  }
0x87: {  	_ =	shalt  }
.Lfunc_end0:
.L_simem_size_0:
called_computation.2_lowered:
.L_overlay_start_0:
0x88: {  	s2 =	sld [smem:$0x3FD9]  }
0x89: {  	s3 =	sld [smem:$0x3FFE];
	_ =	sdelay $0x1  }
0x8a: {  	s1 =	srdreg.scid  }
0x8b: {  	s0 =	sand.u32 $0x1, s1  }
0x8c: {  	s16 =	sshll.u32 s0, $0xA;
	s2 =	sadd.s32 s3, s2  }
0x8d: {  	s2 =	sadd.s32 s2, s16  }
0x8e: {  	[smem:$0x3FB6] =	sst s2  }
0x8f: {  	_ = 	snop  }
0x90: {  	(tm) =	ssettm $0x1  }
0x91: {  	s17 =	sld [smem:$0x3FFB];
	_ =	sdelay $0x3  }
0x92: {  	_ =	strace s17  }
0x93: {  	s2 =	sld [smem:$0x3FFC];
	_ =	sdelay $0x3  }
0x94: {  	_ =	strace s2  }
0x95: {  	s2 =	sld [smem:$0x3FFD];
	_ =	sdelay $0x3  }
0x96: {  	_ =	strace s2  }
0x97: {  	_ =	strace $0x8FFFFFFF  }
0x98: {  	s18 =	sld [smem:$0x3FDB];
	_ =	sdelay $0x1  }
0x99: {  	s19 =	simm.s32 $_scs_section_size  }
0x9a: {  	s4 =	simm.s32 $_size__tile_overlayer_lowered;
	s5 =	simm.s32 $_tile_overlayer_lowered  }
0x9b: {  	s22 =	simm.s32 $0x1BFF;
	s21 =	sshll.u32 s5, $0x1;
	s2 =	sadd.s32 s19, s18  }
0x9c: {  	s6 =	simm.s32 $0x0;
	s20 =	sshll.u32 s4, $0x1;
	s4 =	sadd.s32 s21, s2  }
0x9d: {  	[timem:s6], [sflag:s22] =	dma.local [hbm:s4], s20  }
0x9e: {  	_ =	swait.ge [sflag:s22], s20  }
0x9f: {  	s3 =	ssub.s32 $0x0, s20;
	[sflag:s22] =	ssyncset.done $0x0  }
0xa0: {  	[sflag:s22] =	ssyncadd.s32 s3;
	_ =	sdelay $0x1  }
0xa1: {  	s23 =	simm.s32 $0x1B8B  }
0xa2: {  	_ =	swait.ge [sflag:s23], $0x1  }
0xa3: {  	[sflag:s23] =	ssyncset.done $0x0  }
0xa4: {  	s25 =	simm.s32 $0x1B8E;
	s24 =	sld [smem:$0x3FFE];
	[sflag:s23] =	ssyncadd.s32 $0xFFFFFFFF  }
0xa5: {  	s26 =	simm.s32 $execute0_lowered;
	[smem:$0x3FD2] =	sst s25  }
0xa6: {  	s4 =	sshll.u32 s26, $0x1;
	_ =	strace $0x8000004C;
	[dreg:$0x1] =	wrdreg $0xFFFFFFFF  }
0xa7: {  	s28 =	simm.s32 $_size_execute0_lowered;
	s2 =	sadd.s32 s2, s4;
	[dreg:$0x0] =	wrdreg $0x0  }
0xa8: {  	s4 =	sshll.u32 s28, $0x1;
	[dreg:$0x2] =	wrdreg s2  }
0xa9: {  	[dreg:$0x3] =	wrdreg s4  }
0xaa: {  	[dreg:$0x4] =	wrdreg $0xC0  }
0xab: {  	_ =	task [dreg:s6], $0x5FFFF  }
0xac: {  	[dreg:$0x1] =	wrdreg $0xFFFFFFFF  }
0xad: {  	[dreg:$0x0] =	wrdreg $0x60  }
0xae: {  	[dreg:$0x2] =	wrdreg s24  }
0xaf: {  	[dreg:$0x3] =	wrdreg $0x0  }
0xb0: {  	[dreg:$0x4] =	wrdreg $0x9  }
0xb1: {  	_ =	task.clear_ibuf [dreg:s6], $0x5FFFF;
	_ =	strace $0x9000004C  }
0xb2: {  	s29 =	simm.s32 $0x9;
	_ =	strace $0x8000004E  }
0xb3: {  	_ =	swait.ge [sflag:s29], $0x1  }
0xb4: {  	[sflag:s29] =	ssyncadd.s32 $0xFFFFFFFF  }
0xb5: {  	_ =	strace $0x9000004E  }
0xb6: {  	_ =	sfence  }
0xb7: {  	s30 =	sld [smem:$0x0];
	_ =	sdelay $0x2  }
0xb8: {  	s31 =	sshll.u32 s1, $0xD;
	s1 =	sshrl.u32 s1, $0x2  }
0xb9: {  	s3 =	sand.u32 $0x4000, s31;
	s1 =	sadd.s32 s1, s30  }
0xba: {  	s0 =	sor.u32 s3, s0;
	s1 =	sshll.u32 s1, $0x11  }
0xbb: {  	s0 =	sor.u32 s1, s0  }
0xbc: {  	s0 =	sadd.s32 $0x8F2B, s0  }
0xbd: {  	[sflag:s0] =	ssyncadd.remote.s32 $0x1  }
0xbe: {  	_ =	sfence.sel $0xFFFF  }
0xbf: {  	[dreg:$0x0] =	wrdreg $0xFFFFFFFF;
	(pc) =	sbr.abs _section_cstart, $3  }
0xc0: {  	[dreg:$0x1] =	wrdreg $0xFFFFFFFF  }
0xc1: {  	_ =	task.clear_ibuf [dreg:s6], $0x2FFFF;
	_ =	strace $0x9FFFFFFF  }
0xc2: {  	(tm) =	ssettm $0x7FFFFFFF  }
0xc3: {  	_ =	shalt  }
tec
execute0_lowered:
.L_overlay_start_1:
0x0: {  	(tag) =	ssettag $0x1  }
0x1: {  	s7 =	rddreg [dreg:$0x0];
	s0 =	srdreg.scid  }
0x2: {  	s1 =	rddreg [dreg:$0x1];
	s2 =	simm.s32 $0x0;
	s17 =	simm.s32 $0x14080  }
0x3: {  	s18 =	simm.s32 $0x7D;
	s8 =	sand.u32 $0x1, s0;
	s0 =	rddreg [dreg:$0x2]  }
0x4: {  	s19 =	simm.s32 $0x14880;
	s20 =	simm.s32 $0x1;
	[smem:$0x7FF] =	sst s2  }
0x5: {  	s4 =	sadd.s32 $0x3200, s7;
	s5 =	sadd.s32 $0xD200, s7;
	s3 =	smul.u32 $0x27100, s8  }
0x6: {  	s6 =	sadd.s32 $0x17200, s7;
	s13 =	sadd.s32 $0x67C00, s7;
	s10 =	ssub.s32 $0x2, s8  }
0x7: {  	s26 =	smul.u32 $0x138800, s8;
	s9 =	sadd.s32 s3, s7;
	s3 =	stileid.u32  }
0x8: {  	s16 =	sadd.s32 $0x138000, s1;
	s11 =	sshrl.u32 s10, $0x1;
	s12 =	smul.u32 $0x4E000, s3  }
0x9: {  	_ =	strace $0x8000004D;
	s14 =	ssub.s32 s10, s11;
	s30 =	smul.u32 $0x13800, s3  }
0xa: {  	s10 =	sshrl.u32 s26, $0x3;
	s29 =	sshll.u32 s3, $0x6;
	s8 =	smul.u32 $0x5000, s3  }
0xb: {  	s9 =	sadd.s32 $0x19A00, s9;
	s31 =	sadd.s32 s13, s10;
	p0 =	sne.s32 s3, $0xF  }
0xc: {  	s7 =	sor.u32 $0x1C02, s29;
	s28 =	sshrl.u32 s12, $0x2;
	s11 =	sadd.s32 s30, s26  }
0xd: {  	s12 =	smax.u32 s14, $0x1;
	s14 =	simm.s32 $0x2;
	s11 =	sshrl.u32 s11, $0x3  }
0xe: {  	s15 =	sadd.s32 s28, s1;
	s10 =	sadd.s32 s13, s11;
	s11 =	sadd.s32 $0x27000, s31  }
0xf: {  	s13 =	sshrl.u32 s15, $0x3;
	s15 =	sshrl.u32 @!p0 s16, $0x3;
	s16 =	simm.s32 $0x13880  }
.LBB2_1:
0x10: {  	[spmem:s13], [sflag:s7] =	dma.local [hbm:s6], $0x2700  }
0x11: {  	_ =	swait.ge [sflag:s14], $0x2700  }
0x12: {  	[sflag:s14] =	ssyncset.done $0x0  }
0x13: {  	s21 =	simm.s32 @!p0 $0x2;
	[sflag:s14] =	ssyncadd.s32 $0xFFFFD900  }
0x14: {  	[spmem:s15], [sflag:s7] =	dma.local @!p0 [hbm:s6], $0x100  }
0x15: {  	_ =	swait.ge @!p0 [sflag:s21], $0x100  }
0x16: {  	[sflag:s21] =	ssyncset.done @!p0 $0x0  }
0x17: {  	[sflag:s21] =	ssyncadd.s32 @!p0 $0xFFFFFF00  }
0x18: {  	s21 =	simm.s32 $0x0;
	[bflag:$0x0] =	sbarrier.arrive $0xFFFF  }
.LBB2_2:
0x19: {  	s22 =	sshll.u32 s21, $0xB  }
0x1a: {  	s22 =	sadd.s32 s8, s22  }
0x1b: {  	s22 =	sshrl.u32 s22, $0x3  }
0x1c: {  	s24 =	simm.s32 $0x0;
	s23 =	sadd.s32 s4, s22  }
0x1d: {  	[tilespmem:s16], [sflag:$0x2] =	stream.linear.gather [hbm4b:s23+s24], $0x800, $0x38;
	[tilespmem:$0x18880] =	vst v63  }
0x1e: {  	_ =	swait.ge [sflag:s14], $0x800  }
0x1f: {  	[sflag:s14] =	ssyncset.done $0x0  }
0x20: {  	s22 =	sadd.s32 s5, s22;
	[sflag:s14] =	ssyncadd.s32 $0xFFFFF800  }
0x21: {  	[tilespmem:s17], [sflag:$0x2] =	stream.linear.gather [hbm4b:s22+s24], $0x800, $0x38;
	[tilespmem:$0x18880] =	vst v63  }
0x22: {  	_ =	swait.ge [sflag:s14], $0x800  }
0x23: {  	[sflag:s14] =	ssyncset.done $0x0  }
0x24: {  	s30 =	simm.s32 $0x13880;
	[sflag:s14] =	ssyncadd.s32 $0xFFFFF800  }
0x25: {  	[tilespmem:s19], [sflag:$0x1] =	stream.indirect.gather [hbm4b:s9+s18], $0x80, s30, s18, $0xb8;
	[tilespmem:$0x18880] =	vst v63  }
0x26: {  	_ =	swait.ge [sflag:s20], $0x3E80  }
0x27: {  	[sflag:s20] =	ssyncset.done $0x0  }
0x28: {  	s31 =	simm.s32 $0x14080;
	[sflag:s20] =	ssyncadd.s32 $0xFFFFC180  }
0x29: {  	[spmem:s1] =	stream.indirect.scatter.add.f32 [tilespmem:s19], [sflag:$0x2], $0x80, s31, s18, $0xb8;
	[tilespmem:$0x18880] =	vst v63  }
0x2a: {  	_ =	swait.ge [sflag:s14], $0x3E80  }
0x2b: {  	s23 =	simm.s32 $0x400;
	s22 =	simm.s32 $0x80;
	[sflag:s14] =	ssyncset.done $0x0  }
.LBB2_3:
0x2c: {  	s24 =	sadd.s32 $0x13880, s22  }
0x2d: {  	[sflag:s14] =	ssyncadd.s32 $0xFFFFC180;
	s25 =	smov.u32 s23;
	s26 =	sadd.s32 $0x200, s23  }
0x2e: {  	[tilespmem:s19], [sflag:$0x1] =	stream.indirect.gather [hbm4b:s9+s18], $0x80, s24, s18, $0xb8;
	[tilespmem:$0x18880] =	vst v63  }
0x2f: {  	p1 =	sne.s32 s23, $0x1E00;
	_ =	swait.ge [sflag:s20], $0x3E80  }
.Ltmp0:
0x30: {  	[sflag:s20] =	ssyncset.done $0x0;
	(pc) =	sbr.rel @p1 .LBB2_3-.Ltmp0, $4  }
0x31: {  	s22 =	sadd.s32 $0x14080, s22;
	[sflag:s20] =	ssyncadd.s32 $0xFFFFC180  }
0x32: {  	[spmem:s1] =	stream.indirect.scatter.add.f32 [tilespmem:s19], [sflag:$0x2], $0x80, s22, s18, $0xb8;
	[tilespmem:$0x18880] =	vst v63  }
0x33: {  	_ =	swait.ge [sflag:s14], $0x3E80  }
0x34: {  	s23 =	smov.u32 s26;
	s22 =	sshra.s32 s25, $0x2;
	[sflag:s14] =	ssyncset.done $0x0  }
0x35: {  	s23 =	sadd.s32 $0x13880, s22;
	[sflag:s14] =	ssyncadd.s32 $0xFFFFC180  }
0x36: {  	[tilespmem:s19], [sflag:$0x1] =	stream.indirect.gather [hbm4b:s9+s18], $0x80, s23, s18, $0xb8;
	[tilespmem:$0x18880] =	vst v63  }
0x37: {  	s21 =	sadd.s32 $0x1, s21;
	_ =	swait.ge [sflag:s20], $0x3E80  }
0x38: {  	p1 =	sne.s32 s21, $0xA;
	[sflag:s20] =	ssyncset.done $0x0  }
.Ltmp1:
0x39: {  	s31 =	sadd.s32 $0x14080, s22;
	[sflag:s20] =	ssyncadd.s32 $0xFFFFC180;
	(pc) =	sbr.rel @p1 .LBB2_2-.Ltmp1, $4  }
0x3a: {  	[spmem:s1] =	stream.indirect.scatter.add.f32 [tilespmem:s19], [sflag:$0x2], $0x80, s31, s18, $0xb8;
	[tilespmem:$0x18880] =	vst v63  }
0x3b: {  	_ =	swait.ge [sflag:s14], $0x3E80  }
0x3c: {  	[sflag:s14] =	ssyncset.done $0x0  }
0x3d: {  	[sflag:s14] =	ssyncadd.s32 $0xFFFFC180  }
0x3e: {  	[bflag:$0x0] =	sbarrier.arrive $0xFFFF  }
0x3f: {  	[hbm:s10], [sflag:s7] =	dma.local [spmem:s13], $0x2700  }
0x40: {  	s2 =	sadd.s32 $0x1, s2;
	_ =	swait.ge [sflag:s14], $0x2700  }
0x41: {  	p1 =	sne.s32 s2, s12;
	[sflag:s14] =	ssyncset.done $0x0  }
.Ltmp2:
0x42: {  	s21 =	simm.s32 @!p0 $0x2;
	[sflag:s14] =	ssyncadd.s32 $0xFFFFD900;
	(pc) =	sbr.rel @p1 .LBB2_1-.Ltmp2, $4  }
0x43: {  	[hbm:s11], [sflag:s7] =	dma.local @!p0 [spmem:s15], $0x100  }
0x44: {  	_ =	swait.ge @!p0 [sflag:s21], $0x100  }
0x45: {  	[sflag:s21] =	ssyncset.done @!p0 $0x0  }
0x46: {  	[sflag:s21] =	ssyncadd.s32 @!p0 $0xFFFFFF00  }
0x47: {  	_ =	sfence.sel $0x180000  }
0x48: {  	[bflag:$0x0] =	sbarrier.arrive $0xFFFF  }
0x49: {  	p0 =	sne.s32 s3, $0x0;
	_ =	strace $0x9000004D  }
0x4a: {  	s0 =	sadd.s32 @!p0 $0x100000, s0;
	[bflag:$0x2] =	sbarrier.arrive $0xFFFF  }
0x4b: {  	[sflag:s0] =	ssyncadd.tile.s32 @!p0 $0x1;
	_ =	shalt  }
.Lfunc_end2:
_tile_overlayer_lowered:
.L_overlay_start_2:
0x4c: {  	(tag) =	ssettag $0x2  }
0x4d: {  	s0 =	rddreg [dreg:$0x0];
	s2 =	stileid.u32  }
0x4e: {  	s1 =	rddreg [dreg:$0x1];
	p0 =	sne.s32 s2, $0x0  }
0x4f: {  	s3 =	rddreg [dreg:$0x2];
	[bflag:$0x3] =	sbarrier.arrive $0xFFFF;
	s2 =	simm.s32 @!p0 $0x1C02  }
0x50: {  	[timem:s3], [sflag:s2] =	dma.local @!p0 [hbm:s0], s1  }
0x51: {  	s0 =	simm.s32 @!p0 $0x2  }
0x52: {  	_ =	swait.ge @!p0 [sflag:s0], s1  }
0x53: {  	s1 =	ssub.s32 @!p0 $0x0, s1;
	[sflag:s0] =	ssyncset.done @!p0 $0x0  }
0x54: {  	[sflag:s0] =	ssyncadd.s32 @!p0 s1  }
0x55: {  	[bflag:$0x3] =	sbarrier.arrive $0xFFFF  }
0x56: {  	_ =	shalt  }

// kernel: kernel.9.cloned.1.call-start
scs
__scs_entry_jumppad:
0x0: {  	(pc) =	sbr.rel $0x88, $3  }
0x1: {  	(tag) =	ssettag $0x0;
	lr =	simm.s32 $0x1  }
0x2: {  	[smem:$0x3F8F] =	sst lr;
	_ =	strace $0xD0000000  }
0x3: {  	_ = 	snop  }
0x4: {  	_ = 	snop  }
0x5: {  	_ = 	snop  }
0x6: {  	_ = 	snop  }
0x7: {  	_ = 	snop  }
__scs_overlays_trampoline_lowered:
0x8: {  	[smem:$0x3F9E] =	sst s0  }
0x9: {  	[smem:$0x3F9F] =	sst s1  }
0xa: {  	[smem:$0x3FA0] =	sst s2  }
0xb: {  	[smem:$0x3FA1] =	sst s3  }
0xc: {  	[smem:$0x3FA2] =	sst s4  }
0xd: {  	[smem:$0x3FA3] =	sst s5  }
0xe: {  	[smem:$0x3FA4] =	sst s6  }
0xf: {  	[smem:$0x3FA5] =	sst s7  }
0x10: {  	[smem:$0x3FA6] =	sst s8  }
0x11: {  	[smem:$0x3FA7] =	sst s9;
	s0 =	simm.s32 @!p0 $0x0  }
0x12: {  	s1 =	sld [smem:$0x3F8D];
	s0 =	simm.s32 @p0 $0x1  }
0x13: {  	[smem:$0x3FA8] =	sst s0;
	s0 =	simm.s32 @!p1 $0x0  }
0x14: {  	s2 =	sld [smem:$0x3F8C];
	s0 =	simm.s32 @p1 $0x1  }
0x15: {  	[smem:$0x3FA9] =	sst s0;
	s0 =	simm.s32 @!p2 $0x0  }
0x16: {  	s3 =	sld [smem:$0x3FDB];
	s0 =	simm.s32 @p2 $0x1  }
0x17: {  	s4 =	simm.s32 $0x1BF5;
	[smem:$0x3FAB] =	sst s0  }
0x18: {  	s0 =	sld [smem:$0x3F8E];
	_ =	swait.ge [sflag:s4], $0x0  }
0x19: {  	s7 =	sld [smem:$0x3F8F]  }
0x1a: {  	s8 =	sadd.s32 $0xFFFFE003, lr  }
0x1b: {  	s9 =	sadd.s32 $0xFFFFFEF7, lr;
	s5 =	simm.s32 $0xFFFFFFFF;
	p2 =	slt.u32 s8, $0xFFFFF086  }
0x1c: {  	p1 =	slt.u32 s9, $0xF7A;
	s5 =	simm.s32 @!p2 $0x0  }
0x1d: {  	s5 =	simm.s32 @p1 $0x1;
	p0 =	seq.s32 s7, s2  }
0x1e: {  	s7 =	smul.u32 @!p0 $0xF7A, s2;
	p2 =	seq.s32 @!p0 s5, $0x0  }
0x1f: {  	s9 =	smul.u32 $0xF7A, s1;
	s8 =	simm.s32 @!p0 $0x1BF5;
	p2 =	por !p2, p0  }
0x20: {  	[sflag:s8] =	ssyncset.s32 @!p0 $0xFFFFF086;
	s6 =	sadd.s32 @!p0 s3, s7;
	s7 =	simm.s32 @!p0 $0x108  }
0x21: {  	s3 =	sadd.s32 s3, s9;
	s6 =	sadd.s32 @!p0 $0x88, s6;
	s7 =	simm.s32 @p2 $0x1082  }
0x22: {  	[simem:s7], [sflag:s8] =	dma.local @!p0 [hbm:s6], $0xF7A  }
0x23: {  	s9 =	sor.u32 $0xD0000000, s2;
	s6 =	simm.s32 $0x108;
	_ =	swait.ge @!p0 [sflag:s8], $0x0  }
0x24: {  	s3 =	sadd.s32 $0x88, s3;
	s6 =	simm.s32 @!p1 $0x1082;
	[sflag:s4] =	ssyncset.s32 $0xFFFFF086  }
0x25: {  	[simem:s6], [sflag:s4] =	dma.local [hbm:s3], $0xF7A  }
0x26: {  	[smem:$0x3F8F] =	sst s1;
	(tag) =	ssettag s2;
	_ =	strace s9  }
0x27: {  	s1 =	sld [smem:$0x3F9F]  }
0x28: {  	s2 =	sld [smem:$0x3FA0]  }
0x29: {  	s4 =	sld [smem:$0x3FA2]  }
0x2a: {  	p0 =	seq.s32 s5, $0x0;
	s5 =	sld [smem:$0x3FA3]  }
0x2b: {  	s6 =	sld [smem:$0x3FA4]  }
0x2c: {  	s7 =	sld [smem:$0x3FA5]  }
0x2d: {  	s3 =	simm.s32 $0x108;
	s8 =	sld [smem:$0x3FA6]  }
0x2e: {  	s3 =	simm.s32 @!p0 $0x1082;
	s9 =	sld [smem:$0x3FA7]  }
0x2f: {  	lr =	sadd.s32 s0, s3;
	s0 =	sld [smem:$0x3F9E]  }
0x30: {  	s3 =	sld [smem:$0x3FA1]  }
0x31: {  	[smem:$0x3FAA] =	sst s10  }
0x32: {  	s10 =	sld [smem:$0x3FA8];
	_ =	sdelay $0x3  }
0x33: {  	p0 =	seq.s32 s10, $0x1;
	s10 =	sld [smem:$0x3FAA];
	_ =	sdelay $0x3  }
0x34: {  	[smem:$0x3FAA] =	sst s10  }
0x35: {  	s10 =	sld [smem:$0x3FA9];
	_ =	sdelay $0x3  }
0x36: {  	p1 =	seq.s32 s10, $0x1;
	s10 =	sld [smem:$0x3FAA];
	_ =	sdelay $0x3  }
0x37: {  	[smem:$0x3FAA] =	sst s10  }
0x38: {  	s10 =	sld [smem:$0x3FAB]  }
0x39: {  	_ = 	snop;
	(pc) =	sbr.ind lr, $3  }
0x3a: {  	_ = 	snop  }
0x3b: {  	_ = 	snop  }
0x3c: {  	p2 =	seq.s32 s10, $0x1;
	s10 =	sld [smem:$0x3FAA]  }
0x3d: {  	_ =	shalt  }
0x3e: {  	_ =	shalt  }
0x3f: {  	_ =	shalt  }
0x40: {  	_ =	shalt  }
0x41: {  	_ =	shalt  }
0x42: {  	_ =	shalt  }
0x43: {  	_ =	shalt  }
0x44: {  	_ =	shalt  }
0x45: {  	_ =	shalt  }
0x46: {  	_ =	shalt  }
0x47: {  	_ =	shalt  }
0x48: {  	_ =	shalt  }
0x49: {  	_ =	shalt  }
0x4a: {  	_ =	shalt  }
0x4b: {  	_ =	shalt  }
0x4c: {  	_ =	shalt  }
0x4d: {  	_ =	shalt  }
0x4e: {  	_ =	shalt  }
0x4f: {  	_ =	shalt  }
0x50: {  	_ =	shalt  }
0x51: {  	_ =	shalt  }
0x52: {  	_ =	shalt  }
0x53: {  	_ =	shalt  }
0x54: {  	_ =	shalt  }
0x55: {  	_ =	shalt  }
0x56: {  	_ =	shalt  }
0x57: {  	_ =	shalt  }
0x58: {  	_ =	shalt  }
0x59: {  	_ =	shalt  }
0x5a: {  	_ =	shalt  }
0x5b: {  	_ =	shalt  }
0x5c: {  	_ =	shalt  }
0x5d: {  	_ =	shalt  }
0x5e: {  	_ =	shalt  }
0x5f: {  	_ =	shalt  }
0x60: {  	_ =	shalt  }
0x61: {  	_ =	shalt  }
0x62: {  	_ =	shalt  }
0x63: {  	_ =	shalt  }
0x64: {  	_ =	shalt  }
0x65: {  	_ =	shalt  }
0x66: {  	_ =	shalt  }
0x67: {  	_ =	shalt  }
0x68: {  	_ =	shalt  }
0x69: {  	_ =	shalt  }
0x6a: {  	_ =	shalt  }
0x6b: {  	_ =	shalt  }
0x6c: {  	_ =	shalt  }
0x6d: {  	_ =	shalt  }
0x6e: {  	_ =	shalt  }
0x6f: {  	_ =	shalt  }
0x70: {  	_ =	shalt  }
0x71: {  	_ =	shalt  }
0x72: {  	_ =	shalt  }
0x73: {  	_ =	shalt  }
0x74: {  	_ =	shalt  }
0x75: {  	_ =	shalt  }
0x76: {  	_ =	shalt  }
0x77: {  	_ =	shalt  }
0x78: {  	_ =	shalt  }
0x79: {  	_ =	shalt  }
0x7a: {  	_ =	shalt  }
0x7b: {  	_ =	shalt  }
0x7c: {  	_ =	shalt  }
0x7d: {  	_ =	shalt  }
0x7e: {  	_ =	shalt  }
0x7f: {  	_ =	shalt  }
0x80: {  	_ =	shalt  }
0x81: {  	_ =	shalt  }
0x82: {  	_ =	shalt  }
0x83: {  	_ =	shalt  }
0x84: {  	_ =	shalt  }
0x85: {  	_ =	shalt  }
0x86: {  	_ =	shalt  }
0x87: {  	_ =	shalt  }
.Lfunc_end0:
.L_simem_size_0:
called_computation_lowered:
.L_overlay_start_0:
0x88: {  	s2 =	sld [smem:$0x3FD9]  }
0x89: {  	s3 =	sld [smem:$0x3FFE];
	_ =	sdelay $0x1  }
0x8a: {  	s1 =	srdreg.scid  }
0x8b: {  	s0 =	sand.u32 $0x1, s1  }
0x8c: {  	s17 =	sshll.u32 s0, $0xA;
	s2 =	sadd.s32 s3, s2  }
0x8d: {  	s2 =	sadd.s32 s2, s17  }
0x8e: {  	[smem:$0x3FB6] =	sst s2  }
0x8f: {  	_ = 	snop  }
0x90: {  	s2 =	sld [smem:$0x3FC9];
	(tm) =	ssettm $0x1  }
0x91: {  	s18 =	sld [smem:$0x3FFB];
	_ =	sdelay $0x3  }
0x92: {  	_ =	strace s18  }
0x93: {  	s3 =	sld [smem:$0x3FFC];
	_ =	sdelay $0x3  }
0x94: {  	_ =	strace s3  }
0x95: {  	s3 =	sld [smem:$0x3FFD];
	_ =	sdelay $0x3  }
0x96: {  	_ =	strace s3  }
0x97: {  	_ =	strace $0x8FFFFFFF  }
0x98: {  	s19 =	sld [smem:$0x3FDB];
	_ =	sdelay $0x1  }
0x99: {  	s4 =	simm.s32 $_scs_section_size  }
0x9a: {  	s5 =	simm.s32 $_size__tile_overlayer_lowered;
	s6 =	simm.s32 $_tile_overlayer_lowered  }
0x9b: {  	s22 =	simm.s32 $0x1BFF;
	s21 =	sshll.u32 s6, $0x1;
	s3 =	sadd.s32 s4, s19  }
0x9c: {  	s7 =	simm.s32 $0x0;
	s20 =	sshll.u32 s5, $0x1;
	s5 =	sadd.s32 s21, s3  }
0x9d: {  	[timem:s7], [sflag:s22] =	dma.local [hbm:s5], s20  }
0x9e: {  	_ =	swait.ge [sflag:s22], s20  }
0x9f: {  	s4 =	ssub.s32 $0x0, s20;
	[sflag:s22] =	ssyncset.done $0x0  }
0xa0: {  	[sflag:s22] =	ssyncadd.s32 s4;
	_ =	sdelay $0x1  }
0xa1: {  	s23 =	simm.s32 $0x1B8B  }
0xa2: {  	_ =	swait.ge [sflag:s23], $0x1  }
0xa3: {  	[sflag:s23] =	ssyncset.done $0x0  }
0xa4: {  	s25 =	simm.s32 $0x1B8E;
	s24 =	sld [smem:$0x3FFE];
	[sflag:s23] =	ssyncadd.s32 $0xFFFFFFFF  }
0xa5: {  	s26 =	simm.s32 $execute0_lowered;
	[smem:$0x3FD2] =	sst s25  }
0xa6: {  	s5 =	sshll.u32 s26, $0x1;
	_ =	strace $0x80000046;
	[dreg:$0x1] =	wrdreg $0xFFFFFFFF  }
0xa7: {  	s28 =	simm.s32 $_size_execute0_lowered;
	s3 =	sadd.s32 s3, s5;
	[dreg:$0x0] =	wrdreg $0x0  }
0xa8: {  	s5 =	sshll.u32 s28, $0x1;
	[dreg:$0x2] =	wrdreg s3  }
0xa9: {  	[dreg:$0x3] =	wrdreg s5  }
0xaa: {  	[dreg:$0x4] =	wrdreg $0xC0  }
0xab: {  	_ =	task [dreg:s7], $0x5FFFF  }
0xac: {  	[dreg:$0x1] =	wrdreg $0xFFFFFFFF  }
0xad: {  	[dreg:$0x0] =	wrdreg $0x60  }
0xae: {  	[dreg:$0x2] =	wrdreg s2  }
0xaf: {  	[dreg:$0x3] =	wrdreg s24  }
0xb0: {  	[dreg:$0x4] =	wrdreg $0x0  }
0xb1: {  	[dreg:$0x5] =	wrdreg $0x9  }
0xb2: {  	_ =	task.clear_ibuf [dreg:s7], $0x6FFFF;
	_ =	strace $0x90000046  }
0xb3: {  	s29 =	simm.s32 $0x9;
	_ =	strace $0x80000048  }
0xb4: {  	_ =	swait.ge [sflag:s29], $0x1  }
0xb5: {  	[sflag:s29] =	ssyncadd.s32 $0xFFFFFFFF  }
0xb6: {  	_ =	strace $0x90000048  }
0xb7: {  	_ =	sfence  }
0xb8: {  	s30 =	sld [smem:$0x0];
	_ =	sdelay $0x2  }
0xb9: {  	s31 =	sshll.u32 s1, $0xD;
	s1 =	sshrl.u32 s1, $0x2  }
0xba: {  	s3 =	sand.u32 $0x4000, s31;
	s1 =	sadd.s32 s1, s30  }
0xbb: {  	s0 =	sor.u32 s3, s0;
	s1 =	sshll.u32 s1, $0x11  }
0xbc: {  	s0 =	sor.u32 s1, s0  }
0xbd: {  	s0 =	sadd.s32 $0x8F2B, s0  }
0xbe: {  	[sflag:s0] =	ssyncadd.remote.s32 $0x1  }
0xbf: {  	_ =	sfence.sel $0xFFFF  }
0xc0: {  	[dreg:$0x0] =	wrdreg $0xFFFFFFFF;
	(pc) =	sbr.abs _section_cstart, $3  }
0xc1: {  	[dreg:$0x1] =	wrdreg $0xFFFFFFFF  }
0xc2: {  	_ =	task.clear_ibuf [dreg:s7], $0x2FFFF;
	_ =	strace $0x9FFFFFFF  }
0xc3: {  	(tm) =	ssettm $0x7FFFFFFF  }
tec
execute0_lowered:
.L_overlay_start_1:
0x0: {  	(tag) =	ssettag $0x1  }
0x1: {  	s1 =	rddreg [dreg:$0x0]  }
0x2: {  	s8 =	rddreg [dreg:$0x1]  }
0x3: {  	s2 =	rddreg [dreg:$0x2]  }
0x4: {  	s0 =	rddreg [dreg:$0x3];
	s3 =	simm.s32 $0x0  }
0x5: {  	s6 =	srdreg.scid;
	s4 =	stileid.u32;
	s17 =	simm.s32 $0x14080  }
0x6: {  	s18 =	simm.s32 $0x7D;
	s19 =	simm.s32 $0x14880;
	s20 =	simm.s32 $0x1  }
0x7: {  	[smem:$0x7FF] =	sst s3;
	s5 =	sadd.s32 $0x3200, s8;
	s9 =	sand.u32 $0x1, s6  }
0x8: {  	s6 =	sadd.s32 $0xD200, s8;
	s11 =	smul.u32 $0x4E000, s4;
	s7 =	sadd.s32 $0x17200, s8  }
0x9: {  	s12 =	sadd.s32 $0x19A00, s8;
	s30 =	sshll.u32 s4, $0x6;
	s31 =	smul.u32 $0x13800, s4  }
0xa: {  	s15 =	sadd.s32 $0x138000, s2;
	p0 =	sne.s32 s4, $0xF;
	_ =	strace $0x80000047  }
0xb: {  	s10 =	ssub.s32 $0x2, s9;
	s29 =	smul.u32 $0x138800, s9;
	s8 =	sor.u32 $0x1C02, s30  }
0xc: {  	s9 =	sshll.u32 s9, $0x4;
	s15 =	sshrl.u32 @!p0 s15, $0x3;
	s26 =	sshrl.u32 s10, $0x1  }
0xd: {  	s28 =	sshrl.u32 s11, $0x2;
	s9 =	sor.u32 s4, s9;
	s13 =	ssub.s32 s10, s26  }
0xe: {  	s14 =	sadd.s32 s28, s2;
	s11 =	sadd.s32 s31, s29;
	s10 =	sshrl.u32 s29, $0x3  }
0xf: {  	s9 =	smul.u32 $0x2800, s9;
	s11 =	sshrl.u32 s11, $0x3;
	s16 =	sadd.s32 s12, s10  }
0x10: {  	s10 =	sadd.s32 s12, s11;
	s11 =	sadd.s32 $0x27000, s16;
	s12 =	smax.u32 s13, $0x1  }
0x11: {  	s13 =	sshrl.u32 s14, $0x3;
	s14 =	simm.s32 $0x2;
	s16 =	simm.s32 $0x13880  }
.LBB2_1:
0x12: {  	[spmem:s13], [sflag:s8] =	dma.local [hbm:s7], $0x2700  }
0x13: {  	_ =	swait.ge [sflag:s14], $0x2700  }
0x14: {  	[sflag:s14] =	ssyncset.done $0x0  }
0x15: {  	s21 =	simm.s32 @!p0 $0x2;
	[sflag:s14] =	ssyncadd.s32 $0xFFFFD900  }
0x16: {  	[spmem:s15], [sflag:s8] =	dma.local @!p0 [hbm:s7], $0x100  }
0x17: {  	_ =	swait.ge @!p0 [sflag:s21], $0x100  }
0x18: {  	[sflag:s21] =	ssyncset.done @!p0 $0x0  }
0x19: {  	[sflag:s21] =	ssyncadd.s32 @!p0 $0xFFFFFF00  }
0x1a: {  	s21 =	simm.s32 $0x0;
	[bflag:$0x0] =	sbarrier.arrive $0xFFFF  }
.LBB2_2:
0x1b: {  	s22 =	sshll.u32 s21, $0xB  }
0x1c: {  	s22 =	sadd.s32 s9, s22  }
0x1d: {  	s22 =	sshrl.u32 s22, $0x3  }
0x1e: {  	s24 =	simm.s32 $0x0;
	s23 =	sadd.s32 s5, s22  }
0x1f: {  	[tilespmem:s16], [sflag:$0x2] =	stream.linear.gather [hbm4b:s23+s24], $0x800, $0x38;
	[tilespmem:$0x18880] =	vst v63  }
0x20: {  	_ =	swait.ge [sflag:s14], $0x800  }
0x21: {  	[sflag:s14] =	ssyncset.done $0x0  }
0x22: {  	s22 =	sadd.s32 s6, s22;
	[sflag:s14] =	ssyncadd.s32 $0xFFFFF800  }
0x23: {  	[tilespmem:s17], [sflag:$0x2] =	stream.linear.gather [hbm4b:s22+s24], $0x800, $0x38;
	[tilespmem:$0x18880] =	vst v63  }
0x24: {  	_ =	swait.ge [sflag:s14], $0x800  }
0x25: {  	[sflag:s14] =	ssyncset.done $0x0  }
0x26: {  	s30 =	simm.s32 $0x13880;
	[sflag:s14] =	ssyncadd.s32 $0xFFFFF800  }
0x27: {  	[tilespmem:s19], [sflag:$0x1] =	stream.indirect.gather [hbm4b:s1+s18], $0x80, s30, s18, $0xb8;
	[tilespmem:$0x18880] =	vst v63  }
0x28: {  	_ =	swait.ge [sflag:s20], $0x3E80  }
0x29: {  	[sflag:s20] =	ssyncset.done $0x0  }
0x2a: {  	s31 =	simm.s32 $0x14080;
	[sflag:s20] =	ssyncadd.s32 $0xFFFFC180  }
0x2b: {  	[spmem:s2] =	stream.indirect.scatter.add.f32 [tilespmem:s19], [sflag:$0x2], $0x80, s31, s18, $0xb8;
	[tilespmem:$0x18880] =	vst v63  }
0x2c: {  	_ =	swait.ge [sflag:s14], $0x3E80  }
0x2d: {  	s23 =	simm.s32 $0x400;
	s22 =	simm.s32 $0x80;
	[sflag:s14] =	ssyncset.done $0x0  }
.LBB2_3:
0x2e: {  	s24 =	sadd.s32 $0x13880, s22  }
0x2f: {  	[sflag:s14] =	ssyncadd.s32 $0xFFFFC180;
	s25 =	smov.u32 s23;
	s26 =	sadd.s32 $0x200, s23  }
0x30: {  	[tilespmem:s19], [sflag:$0x1] =	stream.indirect.gather [hbm4b:s1+s18], $0x80, s24, s18, $0xb8;
	[tilespmem:$0x18880] =	vst v63  }
0x31: {  	p1 =	sne.s32 s23, $0x1E00;
	_ =	swait.ge [sflag:s20], $0x3E80  }
.Ltmp0:
0x32: {  	[sflag:s20] =	ssyncset.done $0x0;
	(pc) =	sbr.rel @p1 .LBB2_3-.Ltmp0, $4  }
0x33: {  	s22 =	sadd.s32 $0x14080, s22;
	[sflag:s20] =	ssyncadd.s32 $0xFFFFC180  }
0x34: {  	[spmem:s2] =	stream.indirect.scatter.add.f32 [tilespmem:s19], [sflag:$0x2], $0x80, s22, s18, $0xb8;
	[tilespmem:$0x18880] =	vst v63  }
0x35: {  	_ =	swait.ge [sflag:s14], $0x3E80  }
0x36: {  	s23 =	smov.u32 s26;
	s22 =	sshra.s32 s25, $0x2;
	[sflag:s14] =	ssyncset.done $0x0  }
0x37: {  	s23 =	sadd.s32 $0x13880, s22;
	[sflag:s14] =	ssyncadd.s32 $0xFFFFC180  }
0x38: {  	[tilespmem:s19], [sflag:$0x1] =	stream.indirect.gather [hbm4b:s1+s18], $0x80, s23, s18, $0xb8;
	[tilespmem:$0x18880] =	vst v63  }
0x39: {  	s21 =	sadd.s32 $0x1, s21;
	_ =	swait.ge [sflag:s20], $0x3E80  }
0x3a: {  	p1 =	sne.s32 s21, $0x5;
	[sflag:s20] =	ssyncset.done $0x0  }
.Ltmp1:
0x3b: {  	s31 =	sadd.s32 $0x14080, s22;
	[sflag:s20] =	ssyncadd.s32 $0xFFFFC180;
	(pc) =	sbr.rel @p1 .LBB2_2-.Ltmp1, $4  }
0x3c: {  	[spmem:s2] =	stream.indirect.scatter.add.f32 [tilespmem:s19], [sflag:$0x2], $0x80, s31, s18, $0xb8;
	[tilespmem:$0x18880] =	vst v63  }
0x3d: {  	_ =	swait.ge [sflag:s14], $0x3E80  }
0x3e: {  	[sflag:s14] =	ssyncset.done $0x0  }
0x3f: {  	[sflag:s14] =	ssyncadd.s32 $0xFFFFC180  }
0x40: {  	[bflag:$0x0] =	sbarrier.arrive $0xFFFF  }
0x41: {  	[hbm:s10], [sflag:s8] =	dma.local [spmem:s13], $0x2700  }
0x42: {  	s3 =	sadd.s32 $0x1, s3;
	_ =	swait.ge [sflag:s14], $0x2700  }
0x43: {  	p1 =	sne.s32 s3, s12;
	[sflag:s14] =	ssyncset.done $0x0  }
.Ltmp2:
0x44: {  	s21 =	simm.s32 @!p0 $0x2;
	[sflag:s14] =	ssyncadd.s32 $0xFFFFD900;
	(pc) =	sbr.rel @p1 .LBB2_1-.Ltmp2, $4  }
0x45: {  	[hbm:s11], [sflag:s8] =	dma.local @!p0 [spmem:s15], $0x100  }
0x46: {  	_ =	swait.ge @!p0 [sflag:s21], $0x100  }
0x47: {  	[sflag:s21] =	ssyncset.done @!p0 $0x0  }
0x48: {  	[sflag:s21] =	ssyncadd.s32 @!p0 $0xFFFFFF00  }
0x49: {  	_ =	sfence.sel $0x180000  }
0x4a: {  	[bflag:$0x0] =	sbarrier.arrive $0xFFFF  }
0x4b: {  	p0 =	sne.s32 s4, $0x0;
	_ =	strace $0x90000047  }
0x4c: {  	s0 =	sadd.s32 @!p0 $0x100000, s0;
	[bflag:$0x2] =	sbarrier.arrive $0xFFFF  }
0x4d: {  	[sflag:s0] =	ssyncadd.tile.s32 @!p0 $0x1;
	_ =	shalt  }
.Lfunc_end2:
_tile_overlayer_lowered:
.L_overlay_start_2:
0x4e: {  	(tag) =	ssettag $0x2  }
0x4f: {  	s0 =	rddreg [dreg:$0x0];
	s2 =	stileid.u32  }
0x50: {  	s1 =	rddreg [dreg:$0x1];
	p0 =	sne.s32 s2, $0x0  }
0x51: {  	s3 =	rddreg [dreg:$0x2];
	[bflag:$0x3] =	sbarrier.arrive $0xFFFF;
	s2 =	simm.s32 @!p0 $0x1C02  }
0x52: {  	[timem:s3], [sflag:s2] =	dma.local @!p0 [hbm:s0], s1  }
0x53: {  	s0 =	simm.s32 @!p0 $0x2  }
0x54: {  	_ =	swait.ge @!p0 [sflag:s0], s1  }
0x55: {  	s1 =	ssub.s32 @!p0 $0x0, s1;
	[sflag:s0] =	ssyncset.done @!p0 $0x0  }
0x56: {  	[sflag:s0] =	ssyncadd.s32 @!p0 s1  }
0x57: {  	[bflag:$0x3] =	sbarrier.arrive $0xFFFF  }
0x58: {  	_ =	shalt  }

</sc_bundles>
